<compile_context>
chip_gen: v7x
topology: tpu7x:2x2x1
jax: 0.10.2.dev20260603
libtpu: 0.0.44.dev20260713+nightly
codegen_flags: <defaults>
</compile_context>

<pallas_src>
import functools

import jax
import jax.numpy as jnp
from jax import lax
from jax.experimental import pallas as pl
from jax.experimental.pallas import tpu as pltpu
from jax.experimental.pallas import tpu_sc as plsc

N = 3200000
NSEG = 8192
NTILES = 32
BLK = 128
NBLK = N // BLK
BLK_PER_TILE = NBLK // NTILES
BLK_REM = NBLK % NTILES
K = 2560
NCHUNK = (BLK_PER_TILE * BLK + K) // K
VPC = K // 16
ACC = 10 * NSEG
LN2 = 0.6931471805599453


def _sc_body(lg_hbm, ids_hbm, out_parts, out_ent, cbuf0, cbuf1, idbuf0,
             idbuf1, acc, entbuf, seml0, seml1, semi0, semi1):
    cid = lax.axis_index("c")
    sid = lax.axis_index("s")
    wid = sid * 2 + cid
    start = (BLK_PER_TILE * wid + jnp.minimum(wid, BLK_REM)) * BLK
    nrows = (BLK_PER_TILE + jnp.where(wid < BLK_REM, 1, 0)) * BLK
    end = start + nrows

    iota = lax.iota(jnp.int32, 16)
    istr = iota * VPC
    csplat = [jnp.full((16,), c, jnp.int32) for c in range(5)]
    zeros = jnp.zeros((16,), jnp.float32)

    def zero_body(i, c):
        b = i * 64
        acc[pl.ds(b, 16)] = zeros
        acc[pl.ds(b + 16, 16)] = zeros
        acc[pl.ds(b + 32, 16)] = zeros
        acc[pl.ds(b + 48, 16)] = zeros
        return c
    lax.fori_loop(0, ACC // 64, zero_body, 0)

    bufs = ((cbuf0, idbuf0, seml0, semi0), (cbuf1, idbuf1, seml1, semi1))

    def rowbase(g):
        return jnp.minimum(start + g * K, N - K)

    def lg_copy(g, b):
        return pltpu.make_async_copy(
            lg_hbm.at[:, pl.ds(rowbase(g), K)], bufs[b][0], bufs[b][2])

    def ids_copy(g, b):
        return pltpu.make_async_copy(
            ids_hbm.at[pl.ds(rowbase(g), K)], bufs[b][1], bufs[b][3])

    def start_dma(g, b):
        lg_copy(g, b).start()
        ids_copy(g, b).start()

    def wait_dma(g, b):
        lg_copy(g, b).wait()
        ids_copy(g, b).wait()

    def compute(g, b, ent):
        cb = bufs[b][0]
        ib = bufs[b][1]
        row0 = start + g * K
        row0c = rowbase(g)

        def vreg_body(t, ent):
            r0 = iota + t
            r0 = jnp.where(r0 >= VPC, r0 - VPC, r0)
            r = istr + r0
            gr = r + row0c
            mask = jnp.logical_and(gr >= row0, gr < end)
            ids = plsc.load_gather(ib, [r])
            idsn = ids.at[jnp.minimum(iota + 1, 15)].get(
                mode="promise_in_bounds")
            last = jnp.logical_or(ids != idsn, iota == 15)
            lastidx = jnp.where(last, iota, -1)
            mxs = plsc.cummax(lastidx).at[jnp.maximum(iota - 1, 0)].get(
                mode="promise_in_bounds")
            p = jnp.where(iota == 0, -1, mxs)
            pvalid = p >= 0
            pidx = jnp.maximum(p, 0)

            def runsum(f):
                cf = plsc.cumsum(f)
                cprev = cf.at[pidx].get(mode="promise_in_bounds")
                return cf - jnp.where(pvalid, cprev, 0.0)
            x0 = plsc.load_gather(cb, [csplat[0], r])
            x1 = plsc.load_gather(cb, [csplat[1], r])
            x2 = plsc.load_gather(cb, [csplat[2], r])
            x3 = plsc.load_gather(cb, [csplat[3], r])
            x4 = plsc.load_gather(cb, [csplat[4], r])
            m = jnp.maximum(jnp.maximum(jnp.maximum(x0, x1),
                                        jnp.maximum(x2, x3)), x4)
            y0 = x0 - m
            y1 = x1 - m
            y2 = x2 - m
            y3 = x3 - m
            y4 = x4 - m
            e0 = jnp.exp(y0)
            e1 = jnp.exp(y1)
            e2 = jnp.exp(y2)
            e3 = jnp.exp(y3)
            e4 = jnp.exp(y4)
            s = (e0 + e1) + (e2 + e3) + e4
            rinv = 1.0 / s
            w = (e0 * y0 + e1 * y1) + (e2 * y2 + e3 * y3) + e4 * y4
            bits = plsc.bitcast(s, jnp.int32)
            ex = lax.shift_right_logical(bits, 23) - 127
            mb = lax.bitwise_or(lax.bitwise_and(bits, 0x007FFFFF), 0x3F800000)
            mh = plsc.bitcast(mb, jnp.float32)
            t_ = mh - 1.0
            z = t_ / (t_ + 2.0)
            z2 = z * z
            po = 1.0 / 7.0
            po = po * z2 + 1.0 / 5.0
            po = po * z2 + 1.0 / 3.0
            po = po * z2 + 1.0
            logs = ex.astype(jnp.float32) * LN2 + 2.0 * z * po
            ent = ent + jnp.where(mask, logs - w * rinv, 0.0)

            fm = jnp.where(mask, 1.0, 0.0)
            p0 = e0 * rinv * fm
            p1 = e1 * rinv * fm
            p2 = e2 * rinv * fm
            p3 = e3 * rinv * fm
            p4 = e4 * rinv * fm
            plsc.addupdate_scatter(acc, [ids], runsum(p0), mask=last)
            plsc.addupdate_scatter(acc, [ids + NSEG], runsum(p1), mask=last)
            plsc.addupdate_scatter(acc, [ids + 2 * NSEG], runsum(p2),
                                   mask=last)
            plsc.addupdate_scatter(acc, [ids + 3 * NSEG], runsum(p3),
                                   mask=last)
            plsc.addupdate_scatter(acc, [ids + 4 * NSEG], runsum(p4),
                                   mask=last)
            plsc.addupdate_scatter(acc, [ids + 5 * NSEG], runsum(p0 * p0),
                                   mask=last)
            plsc.addupdate_scatter(acc, [ids + 6 * NSEG], runsum(p1 * p1),
                                   mask=last)
            plsc.addupdate_scatter(acc, [ids + 7 * NSEG], runsum(p2 * p2),
                                   mask=last)
            plsc.addupdate_scatter(acc, [ids + 8 * NSEG], runsum(p3 * p3),
                                   mask=last)
            plsc.addupdate_scatter(acc, [ids + 9 * NSEG], runsum(p4 * p4),
                                   mask=last)
            return ent

        return lax.fori_loop(0, VPC, vreg_body, ent)

    start_dma(0, 0)

    def outer_body(u, ent):
        g0 = u * 2
        @pl.when(g0 + 1 < NCHUNK)
        def _():
            start_dma(g0 + 1, 1)
        wait_dma(g0, 0)
        ent = compute(g0, 0, ent)

        @pl.when(g0 + 2 < NCHUNK)
        def _():
            start_dma(g0 + 2, 0)
        wait_dma(g0 + 1, 1)
        return compute(g0 + 1, 1, ent)

    ent = lax.fori_loop(0, NCHUNK // 2, outer_body, zeros)

    if NCHUNK % 2 == 1:
        wait_dma(NCHUNK - 1, 0)
        ent = compute(NCHUNK - 1, 0, ent)
    entbuf[...] = ent
    pltpu.sync_copy(acc, out_parts.at[wid])
    pltpu.sync_copy(entbuf, out_ent.at[wid])


_sc_call = functools.partial(
    pl.kernel,
    out_type=(
        jax.ShapeDtypeStruct((NTILES, ACC), jnp.float32),
        jax.ShapeDtypeStruct((NTILES, 16), jnp.float32),
    ),
    mesh=plsc.VectorSubcoreMesh(core_axis_name="c", subcore_axis_name="s"),
    compiler_params=pltpu.CompilerParams(needs_layout_passes=False),
    scratch_types=[
        pltpu.VMEM((6, K), jnp.float32),
        pltpu.VMEM((6, K), jnp.float32),
        pltpu.VMEM((K,), jnp.int32),
        pltpu.VMEM((K,), jnp.int32),
        pltpu.VMEM((ACC,), jnp.float32),
        pltpu.VMEM((16,), jnp.float32),
        pltpu.SemaphoreType.DMA,
        pltpu.SemaphoreType.DMA,
        pltpu.SemaphoreType.DMA,
        pltpu.SemaphoreType.DMA,
    ],
)(_sc_body)


def _fin_body(parts_ref, ent_ref, out_ref):
    acc = jnp.sum(parts_ref[...], axis=0)
    seg_sum = acc[0:5, :]
    seg_sumsq = acc[5:10, :]
    cnt = jnp.sum(seg_sum, axis=0, keepdims=True)
    safe_cnt = jnp.maximum(cnt, 1.0)
    mean = seg_sum / safe_cnt
    denom = jnp.maximum(cnt - 1.0, 1.0)
    var = (seg_sumsq - cnt * mean * mean) / denom
    sp_var_mean = jnp.sum(var, axis=0, keepdims=True) * 0.2
    valid = cnt >= 2.0
    smooth_sum = jnp.sum(jnp.where(valid, sp_var_mean, 0.0))
    n_unique = jnp.sum((cnt > 0.0).astype(jnp.float32))
    n_sp = jnp.maximum(n_unique, 1.0)
    entropy = jnp.sum(ent_ref[...]) * (1.0 / N)
    out_ref[0, 0] = 0.8 * (smooth_sum / n_sp) + 0.2 * entropy


def kernel(ref_logits, superpixels):
    lgt = ref_logits.T
    parts, ents = _sc_call(lgt, superpixels)
    loss = pl.pallas_call(
        _fin_body,
        out_shape=jax.ShapeDtypeStruct((1, 1), jnp.float32),
        out_specs=pl.BlockSpec(memory_space=pltpu.SMEM),
    )(parts.reshape(NTILES, 10, NSEG), ents)
    return loss[0, 0]

# --- scband reference (transcript-rebuilt; emitter-appended) ---
"""Pipeline reference for scband-mrfloss-27135603376138 (READ-ONLY COPY).

The authoritative reference and input builder live on the scoring server;
editing this copy changes nothing except your own understanding.
"""

import jax, jax.numpy as jnp
import numpy as np

N = 3200000
C_PLUS_1 = 6
N_CLASSES = 5
NUM_SEGMENTS = 8192
LAMBDA1 = 0.8
LAMBDA2 = 0.2


def setup_inputs(seed: int = 0) -> dict:
    key = jax.random.key(seed)
    k1, k2 = jax.random.split(key)
    ref_logits = jax.random.normal(k1, (N, C_PLUS_1), dtype=jnp.float32)
    superpixels = jnp.sort(jax.random.randint(k2, (N,), 0, NUM_SEGMENTS).astype(jnp.int32))
    return {"ref_logits": ref_logits, "superpixels": superpixels}


def _mrf_loss(ref_logits, superpixels):
    probs = jax.nn.softmax(ref_logits[:, :N_CLASSES], axis=-1)
    ones = jnp.ones((probs.shape[0],), dtype=probs.dtype)
    counts = jax.ops.segment_sum(ones, superpixels, num_segments=NUM_SEGMENTS)
    seg_sum = jax.ops.segment_sum(probs, superpixels, num_segments=NUM_SEGMENTS)
    seg_sumsq = jax.ops.segment_sum(probs * probs, superpixels, num_segments=NUM_SEGMENTS)
    cnt = counts[:, None]
    safe_cnt = jnp.maximum(cnt, 1.0)
    mean = seg_sum / safe_cnt
    # unbiased (ddof=1) variance per segment per class, matching torch.var(dim=0)
    denom = jnp.maximum(cnt - 1.0, 1.0)
    var = (seg_sumsq - cnt * mean * mean) / denom
    sp_var_mean = var.mean(axis=1)
    # segments with fewer than 2 members are skipped in the torch loop
    valid = counts >= 2.0
    smooth_sum = jnp.sum(jnp.where(valid, sp_var_mean, 0.0))
    n_unique = jnp.sum(counts > 0.0)
    n_sp = jnp.maximum(n_unique, 1.0).astype(probs.dtype)
    smoothness_loss = smooth_sum / n_sp
    entropy = -jnp.sum(probs * jnp.log(probs + 1e-08), axis=-1).mean()
    return LAMBDA1 * smoothness_loss + LAMBDA2 * entropy


def reference(ref_logits, superpixels):
    return _mrf_loss(ref_logits, superpixels)

if __name__ == "__main__":
    import jax
    _d = setup_inputs()
    print(jax.jit(kernel)(*tuple(_d.values())))

</pallas_src>

<mosaic_0001>
#map = affine_map<(d0, d1) -> (0, 0)>
#map1 = affine_map<(d0, d1) -> (0)>
module attributes {stable_mosaic.version = 14 : i64} {
  func.func @_sc_body(%arg0: i32, %arg1: i32, %arg2: memref<6x3200000xf32, #tpu.memory_space<hbm>>, %arg3: memref<3200000xi32, #tpu.memory_space<hbm>>, %arg4: memref<32x81920xf32, #tpu.memory_space<hbm>>, %arg5: memref<32x16xf32, #tpu.memory_space<hbm>>, %arg6: memref<6x2560xf32, #tpu.memory_space<vmem>>, %arg7: memref<6x2560xf32, #tpu.memory_space<vmem>>, %arg8: memref<2560xi32, #tpu.memory_space<vmem>>, %arg9: memref<2560xi32, #tpu.memory_space<vmem>>, %arg10: memref<81920xf32, #tpu.memory_space<vmem>>, %arg11: memref<16xf32, #tpu.memory_space<vmem>>, %arg12: memref<!tpu.dma_semaphore, #tpu.memory_space<semaphore_mem>>, %arg13: memref<!tpu.dma_semaphore, #tpu.memory_space<semaphore_mem>>, %arg14: memref<!tpu.dma_semaphore, #tpu.memory_space<semaphore_mem>>, %arg15: memref<!tpu.dma_semaphore, #tpu.memory_space<semaphore_mem>>) attributes {dimension_semantics = [#tpu.dimension_semantics<core_parallel>, #tpu.dimension_semantics<subcore_parallel>], iteration_bounds = array<i64: 2, 16>, scalar_prefetch = 0 : i64, scratch_operands = 10 : i64, tpu.core_type = #tpu.core_type<sc_vector_subcore>, window_params = [{transform_indices = #map}, {transform_indices = #map1}, {transform_indices = #map}, {transform_indices = #map}]} {
    %mul3A = arith.constant 2 : i32
    %mul3A_0 = arith.muli %arg1, %mul3A : i32
    %add3A = arith.addi %mul3A_0, %arg0 : i32
    %mul3A_1 = arith.constant 781 : i32
    %mul3A_2 = arith.muli %mul3A_1, %add3A : i32
    %min3A = arith.constant 8 : i32
    %min3A_3 = arith.minsi %add3A, %min3A : i32
    %add3A_4 = arith.addi %mul3A_2, %min3A_3 : i32
    %mul3A_5 = arith.constant 128 : i32
    %mul3A_6 = arith.muli %add3A_4, %mul3A_5 : i32
    %lt3A = arith.constant 8 : i32
    %lt3A_7 = arith.cmpi slt, %add3A, %lt3A : i32
    %jit3A = arith.constant 1 : i32
    %jit3A_8 = arith.constant 0 : i32
    %select_n3A = arith.select %lt3A_7, %jit3A, %jit3A_8 : i32
    %add3A_9 = arith.constant 781 : i32
    %add3A_10 = arith.addi %add3A_9, %select_n3A : i32
    %mul3A_11 = arith.constant 128 : i32
    %mul3A_12 = arith.muli %add3A_10, %mul3A_11 : i32
    %add3A_13 = arith.addi %mul3A_6, %mul3A_12 : i32
    %iota3A = tpu.iota {dimensions = array<i32: 0>} : vector<16xi32>
    %mul3A_14 = arith.constant 160 : i32
    %mul3A_15 = vector.broadcast %mul3A_14 : i32 to vector<16xi32>
    %mul3A_16 = arith.muli %iota3A, %mul3A_15 : vector<16xi32>
    %broadcast_in_dim3A = arith.constant 0 : i32
    %broadcast_in_dim3A_17 = vector.broadcast %broadcast_in_dim3A : i32 to vector<16xi32>
    %broadcast_in_dim3A_18 = arith.constant 1 : i32
    %broadcast_in_dim3A_19 = vector.broadcast %broadcast_in_dim3A_18 : i32 to vector<16xi32>
    %broadcast_in_dim3A_20 = arith.constant 2 : i32
    %broadcast_in_dim3A_21 = vector.broadcast %broadcast_in_dim3A_20 : i32 to vector<16xi32>
    %broadcast_in_dim3A_22 = arith.constant 3 : i32
    %broadcast_in_dim3A_23 = vector.broadcast %broadcast_in_dim3A_22 : i32 to vector<16xi32>
    %broadcast_in_dim3A_24 = arith.constant 4 : i32
    %broadcast_in_dim3A_25 = vector.broadcast %broadcast_in_dim3A_24 : i32 to vector<16xi32>
    %broadcast_in_dim3A_26 = arith.constant 0.000000e+00 : f32
    %broadcast_in_dim3A_27 = vector.broadcast %broadcast_in_dim3A_26 : f32 to vector<16xf32>
    %scan3A = arith.constant 0 : i32
    %scan3A_28 = arith.constant 0 : i32
    %scan3A_29 = arith.constant 1280 : i32
    %scan3A_30 = arith.addi %scan3A_28, %scan3A_29 : i32
    %scan3A_31 = arith.constant 1 : i32
    scf.for %scan3A_53 = %scan3A_28 to %scan3A_30 step %scan3A_31  : i32 {
      %mul3A_54 = arith.constant 64 : i32
      %mul3A_55 = arith.muli %scan3A_53, %mul3A_54 : i32
      %swap3A_56 = arith.index_cast %mul3A_55 : i32 to index
      %swap3A_57 = tpu.vector_load %arg10[%swap3A_56] {strides = array<i32>} : memref<81920xf32, #tpu.memory_space<vmem>>, vector<16xf32>,
      tpu.vector_store %arg10[%swap3A_56], %broadcast_in_dim3A_27 {strides = array<i32>} : memref<81920xf32, #tpu.memory_space<vmem>>, vector<16xf32>,
      %add3A_58 = arith.constant 16 : i32
      %add3A_59 = arith.addi %mul3A_55, %add3A_58 : i32
      %swap3A_60 = arith.index_cast %add3A_59 : i32 to index
      %swap3A_61 = tpu.vector_load %arg10[%swap3A_60] {strides = array<i32>} : memref<81920xf32, #tpu.memory_space<vmem>>, vector<16xf32>,
      tpu.vector_store %arg10[%swap3A_60], %broadcast_in_dim3A_27 {strides = array<i32>} : memref<81920xf32, #tpu.memory_space<vmem>>, vector<16xf32>,
      %add3A_62 = arith.constant 32 : i32
      %add3A_63 = arith.addi %mul3A_55, %add3A_62 : i32
      %swap3A_64 = arith.index_cast %add3A_63 : i32 to index
      %swap3A_65 = tpu.vector_load %arg10[%swap3A_64] {strides = array<i32>} : memref<81920xf32, #tpu.memory_space<vmem>>, vector<16xf32>,
      tpu.vector_store %arg10[%swap3A_64], %broadcast_in_dim3A_27 {strides = array<i32>} : memref<81920xf32, #tpu.memory_space<vmem>>, vector<16xf32>,
      %add3A_66 = arith.constant 48 : i32
      %add3A_67 = arith.addi %mul3A_55, %add3A_66 : i32
      %swap3A_68 = arith.index_cast %add3A_67 : i32 to index
      %swap3A_69 = tpu.vector_load %arg10[%swap3A_68] {strides = array<i32>} : memref<81920xf32, #tpu.memory_space<vmem>>, vector<16xf32>,
      tpu.vector_store %arg10[%swap3A_68], %broadcast_in_dim3A_27 {strides = array<i32>} : memref<81920xf32, #tpu.memory_space<vmem>>, vector<16xf32>,
    }
    %scan3A_32 = arith.constant 1280 : i32
    %add3A_33 = arith.constant 0 : i32
    %add3A_34 = arith.addi %mul3A_6, %add3A_33 : i32
    %min3A_35 = arith.constant 3197440 : i32
    %min3A_36 = arith.minsi %add3A_34, %min3A_35 : i32
    %dma_start3A = arith.constant 0 : i32
    %dma_start3A_37 = tpu.memref_slice %arg2[%dma_start3A, %min3A_36] : memref<6x3200000xf32, #tpu.memory_space<hbm>> -> memref<6x2560xf32, #tpu.memory_space<hbm>>
    %dma_start3A_38 = arith.constant 0 : i32
    %dma_start3A_39 = tpu.memref_slice %arg2[%dma_start3A_38, %min3A_36] : memref<6x3200000xf32, #tpu.memory_space<hbm>> -> memref<6x2560xf32, #tpu.memory_space<hbm>>
    tpu.enqueue_dma source(%dma_start3A_39 : memref<6x2560xf32, #tpu.memory_space<hbm>>) target(%arg6 : memref<6x2560xf32, #tpu.memory_space<vmem>>) target_semaphore(%arg12 : memref<!tpu.dma_semaphore, #tpu.memory_space<semaphore_mem>>)
    %add3A_40 = arith.constant 0 : i32
    %add3A_41 = arith.addi %mul3A_6, %add3A_40 : i32
    %min3A_42 = arith.constant 3197440 : i32
    %min3A_43 = arith.minsi %add3A_41, %min3A_42 : i32
    %dma_start3A_44 = tpu.memref_slice %arg3[%min3A_43] : memref<3200000xi32, #tpu.memory_space<hbm>> -> memref<2560xi32, #tpu.memory_space<hbm>>
    %dma_start3A_45 = tpu.memref_slice %arg3[%min3A_43] : memref<3200000xi32, #tpu.memory_space<hbm>> -> memref<2560xi32, #tpu.memory_space<hbm>>
    tpu.enqueue_dma source(%dma_start3A_45 : memref<2560xi32, #tpu.memory_space<hbm>>) target(%arg8 : memref<2560xi32, #tpu.memory_space<vmem>>) target_semaphore(%arg14 : memref<!tpu.dma_semaphore, #tpu.memory_space<semaphore_mem>>)
    %scan3A_46 = arith.constant 0 : i32
    %scan3A_47 = arith.constant 20 : i32
    %scan3A_48 = arith.addi %scan3A_46, %scan3A_47 : i32
    %scan3A_49 = arith.constant 1 : i32
    %scan3A_50 = scf.for %scan3A_53 = %scan3A_46 to %scan3A_48 step %scan3A_49 iter_args(%scan3A_54 = %broadcast_in_dim3A_27) -> (vector<16xf32>)  : i32 {
      %mul3A_55 = arith.constant 2 : i32
      %mul3A_56 = arith.muli %scan3A_53, %mul3A_55 : i32
      %add3A_57 = arith.constant 1 : i32
      %add3A_58 = arith.addi %mul3A_56, %add3A_57 : i32
      %lt3A_59 = arith.constant 40 : i32
      %lt3A_60 = arith.cmpi slt, %add3A_58, %lt3A_59 : i32
      %convert_element_type3A = arith.extui %lt3A_60 : i1 to i32
      %cond3A = arith.constant 0 : i32
      %cond3A_61 = arith.cmpi ne, %convert_element_type3A, %cond3A : i32
      scf.if %cond3A_61 {
        %add3A_132 = arith.constant 1 : i32
        %add3A_133 = arith.addi %mul3A_56, %add3A_132 : i32
        %mul3A_134 = arith.constant 2560 : i32
        %mul3A_135 = arith.muli %add3A_133, %mul3A_134 : i32
        %add3A_136 = arith.addi %mul3A_6, %mul3A_135 : i32
        %min3A_137 = arith.constant 3197440 : i32
        %min3A_138 = arith.minsi %add3A_136, %min3A_137 : i32
        %dma_start3A_139 = arith.constant 0 : i32
        %dma_start3A_140 = tpu.memref_slice %arg2[%dma_start3A_139, %min3A_138] : memref<6x3200000xf32, #tpu.memory_space<hbm>> -> memref<6x2560xf32, #tpu.memory_space<hbm>>
        %dma_start3A_141 = arith.constant 0 : i32
        %dma_start3A_142 = tpu.memref_slice %arg2[%dma_start3A_141, %min3A_138] : memref<6x3200000xf32, #tpu.memory_space<hbm>> -> memref<6x2560xf32, #tpu.memory_space<hbm>>
        tpu.enqueue_dma source(%dma_start3A_142 : memref<6x2560xf32, #tpu.memory_space<hbm>>) target(%arg7 : memref<6x2560xf32, #tpu.memory_space<vmem>>) target_semaphore(%arg13 : memref<!tpu.dma_semaphore, #tpu.memory_space<semaphore_mem>>)
        %mul3A_143 = arith.constant 2560 : i32
        %mul3A_144 = arith.muli %add3A_133, %mul3A_143 : i32
        %add3A_145 = arith.addi %mul3A_6, %mul3A_144 : i32
        %min3A_146 = arith.constant 3197440 : i32
        %min3A_147 = arith.minsi %add3A_145, %min3A_146 : i32
        %dma_start3A_148 = tpu.memref_slice %arg3[%min3A_147] : memref<3200000xi32, #tpu.memory_space<hbm>> -> memref<2560xi32, #tpu.memory_space<hbm>>
        %dma_start3A_149 = tpu.memref_slice %arg3[%min3A_147] : memref<3200000xi32, #tpu.memory_space<hbm>> -> memref<2560xi32, #tpu.memory_space<hbm>>
        tpu.enqueue_dma source(%dma_start3A_149 : memref<2560xi32, #tpu.memory_space<hbm>>) target(%arg9 : memref<2560xi32, #tpu.memory_space<vmem>>) target_semaphore(%arg15 : memref<!tpu.dma_semaphore, #tpu.memory_space<semaphore_mem>>)
      } else {
      }
      %mul3A_62 = arith.constant 2560 : i32
      %mul3A_63 = arith.muli %mul3A_56, %mul3A_62 : i32
      %add3A_64 = arith.addi %mul3A_6, %mul3A_63 : i32
      %min3A_65 = arith.constant 3197440 : i32
      %min3A_66 = arith.minsi %add3A_64, %min3A_65 : i32
      %dma_wait3A = arith.constant 0 : i32
      %dma_wait3A_67 = tpu.memref_slice %arg2[%dma_wait3A, %min3A_66] : memref<6x3200000xf32, #tpu.memory_space<hbm>> -> memref<6x2560xf32, #tpu.memory_space<hbm>>
      %dma_wait3A_68 = arith.constant 0 : i32
      %dma_wait3A_69 = tpu.memref_slice %arg2[%dma_wait3A_68, %min3A_66] : memref<6x3200000xf32, #tpu.memory_space<hbm>> -> memref<6x2560xf32, #tpu.memory_space<hbm>>
      tpu.wait_dma2 semaphore(%arg12 : memref<!tpu.dma_semaphore, #tpu.memory_space<semaphore_mem>>) src(%dma_wait3A_69 : memref<6x2560xf32, #tpu.memory_space<hbm>>) dst(%arg6 : memref<6x2560xf32, #tpu.memory_space<vmem>>)
      %mul3A_70 = arith.constant 2560 : i32
      %mul3A_71 = arith.muli %mul3A_56, %mul3A_70 : i32
      %add3A_72 = arith.addi %mul3A_6, %mul3A_71 : i32
      %min3A_73 = arith.constant 3197440 : i32
      %min3A_74 = arith.minsi %add3A_72, %min3A_73 : i32
      %dma_wait3A_75 = tpu.memref_slice %arg3[%min3A_74] : memref<3200000xi32, #tpu.memory_space<hbm>> -> memref<2560xi32, #tpu.memory_space<hbm>>
      %dma_wait3A_76 = tpu.memref_slice %arg3[%min3A_74] : memref<3200000xi32, #tpu.memory_space<hbm>> -> memref<2560xi32, #tpu.memory_space<hbm>>
      tpu.wait_dma2 semaphore(%arg14 : memref<!tpu.dma_semaphore, #tpu.memory_space<semaphore_mem>>) src(%dma_wait3A_76 : memref<2560xi32, #tpu.memory_space<hbm>>) dst(%arg8 : memref<2560xi32, #tpu.memory_space<vmem>>)
      %mul3A_77 = arith.constant 2560 : i32
      %mul3A_78 = arith.muli %mul3A_56, %mul3A_77 : i32
      %add3A_79 = arith.addi %mul3A_6, %mul3A_78 : i32
      %mul3A_80 = arith.constant 2560 : i32
      %mul3A_81 = arith.muli %mul3A_56, %mul3A_80 : i32
      %add3A_82 = arith.addi %mul3A_6, %mul3A_81 : i32
      %min3A_83 = arith.constant 3197440 : i32
      %min3A_84 = arith.minsi %add3A_82, %min3A_83 : i32
      %scan3A_85 = arith.constant 0 : i32
      %scan3A_86 = arith.constant 160 : i32
      %scan3A_87 = arith.addi %scan3A_85, %scan3A_86 : i32
      %scan3A_88 = arith.constant 1 : i32
      %scan3A_89 = scf.for %scan3A_132 = %scan3A_85 to %scan3A_87 step %scan3A_88 iter_args(%scan3A_133 = %scan3A_54) -> (vector<16xf32>)  : i32 {
        %add3A_134 = vector.broadcast %scan3A_132 : i32 to vector<16xi32>
        %add3A_135 = arith.addi %iota3A, %add3A_134 : vector<16xi32>
        %ge3A = arith.constant 160 : i32
        %ge3A_136 = vector.broadcast %ge3A : i32 to vector<16xi32>
        %ge3A_137 = arith.cmpi sge, %add3A_135, %ge3A_136 : vector<16xi32>
        %sub3A = arith.constant 160 : i32
        %sub3A_138 = vector.broadcast %sub3A : i32 to vector<16xi32>
        %sub3A_139 = arith.subi %add3A_135, %sub3A_138 : vector<16xi32>
        %select_n3A_140 = arith.select %ge3A_137, %sub3A_139, %add3A_135 : vector<16xi1>, vector<16xi32>
        %add3A_141 = arith.addi %mul3A_16, %select_n3A_140 : vector<16xi32>
        %add3A_142 = vector.broadcast %min3A_84 : i32 to vector<16xi32>
        %add3A_143 = arith.addi %add3A_141, %add3A_142 : vector<16xi32>
        %ge3A_144 = vector.broadcast %add3A_79 : i32 to vector<16xi32>
        %ge3A_145 = arith.cmpi sge, %add3A_143, %ge3A_144 : vector<16xi32>
        %lt3A_146 = vector.broadcast %add3A_13 : i32 to vector<16xi32>
        %lt3A_147 = arith.cmpi slt, %add3A_143, %lt3A_146 : vector<16xi32>
        %and3A = arith.andi %ge3A_145, %lt3A_147 : vector<16xi1>
        %gather3A = tpu.vector_load_idx %arg8[%add3A_141] : memref<2560xi32, #tpu.memory_space<vmem>>[vector<16xi32>], vector<16xi32>,
        %add3A_148 = arith.constant 1 : i32
        %add3A_149 = vector.broadcast %add3A_148 : i32 to vector<16xi32>
        %add3A_150 = arith.addi %iota3A, %add3A_149 : vector<16xi32>
        %min3A_151 = arith.constant 15 : i32
        %min3A_152 = vector.broadcast %min3A_151 : i32 to vector<16xi32>
        %min3A_153 = arith.minsi %add3A_150, %min3A_152 : vector<16xi32>
        %lt3A_154 = arith.constant 0 : i32
        %lt3A_155 = vector.broadcast %lt3A_154 : i32 to vector<16xi32>
        %lt3A_156 = arith.cmpi slt, %min3A_153, %lt3A_155 : vector<16xi32>
        %add3A_157 = arith.constant 16 : i32
        %add3A_158 = vector.broadcast %add3A_157 : i32 to vector<16xi32>
        %add3A_159 = arith.addi %min3A_153, %add3A_158 : vector<16xi32>
        %select_n3A_160 = arith.select %lt3A_156, %add3A_159, %min3A_153 : vector<16xi1>, vector<16xi32>
        %broadcast_in_dim3A_161 = vector.shape_cast %select_n3A_160 : vector<16xi32> to vector<16x1xi32>
        %gather3A_162 = vector.shape_cast %broadcast_in_dim3A_161 : vector<16x1xi32> to vector<16xi32>
        %gather3A_163 = tpu.dynamic_gather %gather3A[%gather3A_162] in [0] : vector<16xi32>, vector<16xi32> -> vector<16xi32>
        %ne3A = arith.cmpi ne, %gather3A, %gather3A_163 : vector<16xi32>
        %eq3A = arith.constant 15 : i32
        %eq3A_164 = vector.broadcast %eq3A : i32 to vector<16xi32>
        %eq3A_165 = arith.cmpi eq, %iota3A, %eq3A_164 : vector<16xi32>
        %or3A = arith.ori %ne3A, %eq3A_165 : vector<16xi1>
        %jit3A_166 = arith.constant -1 : i32
        %broadcast_in_dim3A_167 = vector.broadcast %jit3A_166 : i32 to vector<16xi32>
        %select_n3A_168 = arith.select %or3A, %iota3A, %broadcast_in_dim3A_167 : vector<16xi1>, vector<16xi32>
        %broadcast_in_dim3A_169 = arith.constant true
        %broadcast_in_dim3A_170 = vector.broadcast %broadcast_in_dim3A_169 : i1 to vector<16xi1>
        %masked_cummax3A = arith.constant -2147483648 : i32
        %masked_cummax3A_171 = vector.broadcast %masked_cummax3A : i32 to vector<16xi32>
        %masked_cummax3A_172 = arith.xori %select_n3A_168, %masked_cummax3A_171 : vector<16xi32>
        %masked_cummax3A_173 = tpu.scan <max>, %masked_cummax3A_172 masked %broadcast_in_dim3A_170 : vector<16xi32>, vector<16xi1> -> vector<16xi32>
        %masked_cummax3A_174 = arith.xori %masked_cummax3A_173, %masked_cummax3A_171 : vector<16xi32>
        %sub3A_175 = arith.constant 1 : i32
        %sub3A_176 = vector.broadcast %sub3A_175 : i32 to vector<16xi32>
        %sub3A_177 = arith.subi %iota3A, %sub3A_176 : vector<16xi32>
        %max3A = arith.constant 0 : i32
        %max3A_178 = vector.broadcast %max3A : i32 to vector<16xi32>
        %max3A_179 = arith.maxsi %sub3A_177, %max3A_178 : vector<16xi32>
        %lt3A_180 = arith.constant 0 : i32
        %lt3A_181 = vector.broadcast %lt3A_180 : i32 to vector<16xi32>
        %lt3A_182 = arith.cmpi slt, %max3A_179, %lt3A_181 : vector<16xi32>
        %add3A_183 = arith.constant 16 : i32
        %add3A_184 = vector.broadcast %add3A_183 : i32 to vector<16xi32>
        %add3A_185 = arith.addi %max3A_179, %add3A_184 : vector<16xi32>
        %select_n3A_186 = arith.select %lt3A_182, %add3A_185, %max3A_179 : vector<16xi1>, vector<16xi32>
        %broadcast_in_dim3A_187 = vector.shape_cast %select_n3A_186 : vector<16xi32> to vector<16x1xi32>
        %gather3A_188 = vector.shape_cast %broadcast_in_dim3A_187 : vector<16x1xi32> to vector<16xi32>
        %gather3A_189 = tpu.dynamic_gather %masked_cummax3A_174[%gather3A_188] in [0] : vector<16xi32>, vector<16xi32> -> vector<16xi32>
        %eq3A_190 = arith.constant 0 : i32
        %eq3A_191 = vector.broadcast %eq3A_190 : i32 to vector<16xi32>
        %eq3A_192 = arith.cmpi eq, %iota3A, %eq3A_191 : vector<16xi32>
        %jit3A_193 = arith.constant -1 : i32
        %broadcast_in_dim3A_194 = vector.broadcast %jit3A_193 : i32 to vector<16xi32>
        %select_n3A_195 = arith.select %eq3A_192, %broadcast_in_dim3A_194, %gather3A_189 : vector<16xi1>, vector<16xi32>
        %ge3A_196 = arith.constant 0 : i32
        %ge3A_197 = vector.broadcast %ge3A_196 : i32 to vector<16xi32>
        %ge3A_198 = arith.cmpi sge, %select_n3A_195, %ge3A_197 : vector<16xi32>
        %max3A_199 = arith.constant 0 : i32
        %max3A_200 = vector.broadcast %max3A_199 : i32 to vector<16xi32>
        %max3A_201 = arith.maxsi %select_n3A_195, %max3A_200 : vector<16xi32>
        %gather3A_202 = tpu.vector_load_idx %arg6[%broadcast_in_dim3A_17, %add3A_141] : memref<6x2560xf32, #tpu.memory_space<vmem>>[vector<16xi32>, vector<16xi32>], vector<16xf32>,
        %gather3A_203 = tpu.vector_load_idx %arg6[%broadcast_in_dim3A_19, %add3A_141] : memref<6x2560xf32, #tpu.memory_space<vmem>>[vector<16xi32>, vector<16xi32>], vector<16xf32>,
        %gather3A_204 = tpu.vector_load_idx %arg6[%broadcast_in_dim3A_21, %add3A_141] : memref<6x2560xf32, #tpu.memory_space<vmem>>[vector<16xi32>, vector<16xi32>], vector<16xf32>,
        %gather3A_205 = tpu.vector_load_idx %arg6[%broadcast_in_dim3A_23, %add3A_141] : memref<6x2560xf32, #tpu.memory_space<vmem>>[vector<16xi32>, vector<16xi32>], vector<16xf32>,
        %gather3A_206 = tpu.vector_load_idx %arg6[%broadcast_in_dim3A_25, %add3A_141] : memref<6x2560xf32, #tpu.memory_space<vmem>>[vector<16xi32>, vector<16xi32>], vector<16xf32>,
        %max3A_207 = arith.maximumf %gather3A_202, %gather3A_203 : vector<16xf32>
        %max3A_208 = arith.maximumf %gather3A_204, %gather3A_205 : vector<16xf32>
        %max3A_209 = arith.maximumf %max3A_207, %max3A_208 : vector<16xf32>
        %max3A_210 = arith.maximumf %max3A_209, %gather3A_206 : vector<16xf32>
        %sub3A_211 = arith.subf %gather3A_202, %max3A_210 : vector<16xf32>
        %sub3A_212 = arith.subf %gather3A_203, %max3A_210 : vector<16xf32>
        %sub3A_213 = arith.subf %gather3A_204, %max3A_210 : vector<16xf32>
        %sub3A_214 = arith.subf %gather3A_205, %max3A_210 : vector<16xf32>
        %sub3A_215 = arith.subf %gather3A_206, %max3A_210 : vector<16xf32>
        %exp3A = math.exp %sub3A_211 : vector<16xf32>
        %exp3A_216 = math.exp %sub3A_212 : vector<16xf32>
        %exp3A_217 = math.exp %sub3A_213 : vector<16xf32>
        %exp3A_218 = math.exp %sub3A_214 : vector<16xf32>
        %exp3A_219 = math.exp %sub3A_215 : vector<16xf32>
        %add3A_220 = arith.addf %exp3A, %exp3A_216 : vector<16xf32>
        %add3A_221 = arith.addf %exp3A_217, %exp3A_218 : vector<16xf32>
        %add3A_222 = arith.addf %add3A_220, %add3A_221 : vector<16xf32>
        %add3A_223 = arith.addf %add3A_222, %exp3A_219 : vector<16xf32>
        %div3A = arith.constant 1.000000e+00 : f32
        %div3A_224 = vector.broadcast %div3A : f32 to vector<16xf32>
        %div3A_225 = arith.divf %div3A_224, %add3A_223 : vector<16xf32>
        %mul3A_226 = arith.mulf %exp3A, %sub3A_211 : vector<16xf32>
        %mul3A_227 = arith.mulf %exp3A_216, %sub3A_212 : vector<16xf32>
        %add3A_228 = arith.addf %mul3A_226, %mul3A_227 : vector<16xf32>
        %mul3A_229 = arith.mulf %exp3A_217, %sub3A_213 : vector<16xf32>
        %mul3A_230 = arith.mulf %exp3A_218, %sub3A_214 : vector<16xf32>
        %add3A_231 = arith.addf %mul3A_229, %mul3A_230 : vector<16xf32>
        %add3A_232 = arith.addf %add3A_228, %add3A_231 : vector<16xf32>
        %mul3A_233 = arith.mulf %exp3A_219, %sub3A_215 : vector<16xf32>
        %add3A_234 = arith.addf %add3A_232, %mul3A_233 : vector<16xf32>
        %bitcast3A = vector.bitcast %add3A_223 : vector<16xf32> to vector<16xi32>
        %shift_right_logical3A = arith.constant 23 : i32
        %shift_right_logical3A_235 = vector.broadcast %shift_right_logical3A : i32 to vector<16xi32>
        %shift_right_logical3A_236 = arith.shrui %bitcast3A, %shift_right_logical3A_235 : vector<16xi32>
        %sub3A_237 = arith.constant 127 : i32
        %sub3A_238 = vector.broadcast %sub3A_237 : i32 to vector<16xi32>
        %sub3A_239 = arith.subi %shift_right_logical3A_236, %sub3A_238 : vector<16xi32>
        %and3A_240 = arith.constant 8388607 : i32
        %and3A_241 = vector.broadcast %and3A_240 : i32 to vector<16xi32>
        %and3A_242 = arith.andi %bitcast3A, %and3A_241 : vector<16xi32>
        %or3A_243 = arith.constant 1065353216 : i32
        %or3A_244 = vector.broadcast %or3A_243 : i32 to vector<16xi32>
        %or3A_245 = arith.ori %and3A_242, %or3A_244 : vector<16xi32>
        %bitcast3A_246 = vector.bitcast %or3A_245 : vector<16xi32> to vector<16xf32>
        %sub3A_247 = arith.constant 1.000000e+00 : f32
        %sub3A_248 = vector.broadcast %sub3A_247 : f32 to vector<16xf32>
        %sub3A_249 = arith.subf %bitcast3A_246, %sub3A_248 : vector<16xf32>
        %add3A_250 = arith.constant 2.000000e+00 : f32
        %add3A_251 = vector.broadcast %add3A_250 : f32 to vector<16xf32>
        %add3A_252 = arith.addf %sub3A_249, %add3A_251 : vector<16xf32>
        %div3A_253 = arith.divf %sub3A_249, %add3A_252 : vector<16xf32>
        %mul3A_254 = arith.mulf %div3A_253, %div3A_253 : vector<16xf32>
        %mul3A_255 = arith.constant 0.142857149 : f32
        %mul3A_256 = vector.broadcast %mul3A_255 : f32 to vector<16xf32>
        %mul3A_257 = arith.mulf %mul3A_256, %mul3A_254 : vector<16xf32>
        %add3A_258 = arith.constant 2.000000e-01 : f32
        %add3A_259 = vector.broadcast %add3A_258 : f32 to vector<16xf32>
        %add3A_260 = arith.addf %mul3A_257, %add3A_259 : vector<16xf32>
        %mul3A_261 = arith.mulf %add3A_260, %mul3A_254 : vector<16xf32>
        %add3A_262 = arith.constant 0.333333343 : f32
        %add3A_263 = vector.broadcast %add3A_262 : f32 to vector<16xf32>
        %add3A_264 = arith.addf %mul3A_261, %add3A_263 : vector<16xf32>
        %mul3A_265 = arith.mulf %add3A_264, %mul3A_254 : vector<16xf32>
        %add3A_266 = arith.constant 1.000000e+00 : f32
        %add3A_267 = vector.broadcast %add3A_266 : f32 to vector<16xf32>
        %add3A_268 = arith.addf %mul3A_265, %add3A_267 : vector<16xf32>
        %convert_element_type3A_269 = arith.sitofp %sub3A_239 : vector<16xi32> to vector<16xf32>
        %mul3A_270 = arith.constant 0.693147182 : f32
        %mul3A_271 = vector.broadcast %mul3A_270 : f32 to vector<16xf32>
        %mul3A_272 = arith.mulf %convert_element_type3A_269, %mul3A_271 : vector<16xf32>
        %mul3A_273 = arith.constant 2.000000e+00 : f32
        %mul3A_274 = vector.broadcast %mul3A_273 : f32 to vector<16xf32>
        %mul3A_275 = arith.mulf %mul3A_274, %div3A_253 : vector<16xf32>
        %mul3A_276 = arith.mulf %mul3A_275, %add3A_268 : vector<16xf32>
        %add3A_277 = arith.addf %mul3A_272, %mul3A_276 : vector<16xf32>
        %mul3A_278 = arith.mulf %add3A_234, %div3A_225 : vector<16xf32>
        %sub3A_279 = arith.subf %add3A_277, %mul3A_278 : vector<16xf32>
        %jit3A_280 = arith.constant 0.000000e+00 : f32
        %broadcast_in_dim3A_281 = vector.broadcast %jit3A_280 : f32 to vector<16xf32>
        %select_n3A_282 = arith.select %and3A, %sub3A_279, %broadcast_in_dim3A_281 : vector<16xi1>, vector<16xf32>
        %add3A_283 = arith.addf %scan3A_133, %select_n3A_282 : vector<16xf32>
        %jit3A_284 = arith.constant 1.000000e+00 : f32
        %jit3A_285 = arith.constant 0.000000e+00 : f32
        %broadcast_in_dim3A_286 = vector.broadcast %jit3A_284 : f32 to vector<16xf32>
        %broadcast_in_dim3A_287 = vector.broadcast %jit3A_285 : f32 to vector<16xf32>
        %select_n3A_288 = arith.select %and3A, %broadcast_in_dim3A_286, %broadcast_in_dim3A_287 : vector<16xi1>, vector<16xf32>
        %mul3A_289 = arith.mulf %exp3A, %div3A_225 : vector<16xf32>
        %mul3A_290 = arith.mulf %mul3A_289, %select_n3A_288 : vector<16xf32>
        %mul3A_291 = arith.mulf %exp3A_216, %div3A_225 : vector<16xf32>
        %mul3A_292 = arith.mulf %mul3A_291, %select_n3A_288 : vector<16xf32>
        %mul3A_293 = arith.mulf %exp3A_217, %div3A_225 : vector<16xf32>
        %mul3A_294 = arith.mulf %mul3A_293, %select_n3A_288 : vector<16xf32>
        %mul3A_295 = arith.mulf %exp3A_218, %div3A_225 : vector<16xf32>
        %mul3A_296 = arith.mulf %mul3A_295, %select_n3A_288 : vector<16xf32>
        %mul3A_297 = arith.mulf %exp3A_219, %div3A_225 : vector<16xf32>
        %mul3A_298 = arith.mulf %mul3A_297, %select_n3A_288 : vector<16xf32>
        %broadcast_in_dim3A_299 = arith.constant true
        %broadcast_in_dim3A_300 = vector.broadcast %broadcast_in_dim3A_299 : i1 to vector<16xi1>
        %masked_cumsum3A = tpu.scan <sum>, %mul3A_290 masked %broadcast_in_dim3A_300 : vector<16xf32>, vector<16xi1> -> vector<16xf32>
        %lt3A_301 = arith.constant 0 : i32
        %lt3A_302 = vector.broadcast %lt3A_301 : i32 to vector<16xi32>
        %lt3A_303 = arith.cmpi slt, %max3A_201, %lt3A_302 : vector<16xi32>
        %add3A_304 = arith.constant 16 : i32
        %add3A_305 = vector.broadcast %add3A_304 : i32 to vector<16xi32>
        %add3A_306 = arith.addi %max3A_201, %add3A_305 : vector<16xi32>
        %select_n3A_307 = arith.select %lt3A_303, %add3A_306, %max3A_201 : vector<16xi1>, vector<16xi32>
        %broadcast_in_dim3A_308 = vector.shape_cast %select_n3A_307 : vector<16xi32> to vector<16x1xi32>
        %gather3A_309 = vector.shape_cast %broadcast_in_dim3A_308 : vector<16x1xi32> to vector<16xi32>
        %gather3A_310 = tpu.dynamic_gather %masked_cumsum3A[%gather3A_309] in [0] : vector<16xf32>, vector<16xi32> -> vector<16xf32>
        %jit3A_311 = arith.constant 0.000000e+00 : f32
        %broadcast_in_dim3A_312 = vector.broadcast %jit3A_311 : f32 to vector<16xf32>
        %select_n3A_313 = arith.select %ge3A_198, %gather3A_310, %broadcast_in_dim3A_312 : vector<16xi1>, vector<16xf32>
        %sub3A_314 = arith.subf %masked_cumsum3A, %select_n3A_313 : vector<16xf32>
        tpu.vector_store_idx %arg10[%gather3A], %sub3A_314 masked %or3A {add = true} : memref<81920xf32, #tpu.memory_space<vmem>>[vector<16xi32>], vector<16xf32>, vector<16xi1>
        %add3A_315 = arith.constant 8192 : i32
        %add3A_316 = vector.broadcast %add3A_315 : i32 to vector<16xi32>
        %add3A_317 = arith.addi %gather3A, %add3A_316 : vector<16xi32>
        %broadcast_in_dim3A_318 = arith.constant true
        %broadcast_in_dim3A_319 = vector.broadcast %broadcast_in_dim3A_318 : i1 to vector<16xi1>
        %masked_cumsum3A_320 = tpu.scan <sum>, %mul3A_292 masked %broadcast_in_dim3A_319 : vector<16xf32>, vector<16xi1> -> vector<16xf32>
        %lt3A_321 = arith.constant 0 : i32
        %lt3A_322 = vector.broadcast %lt3A_321 : i32 to vector<16xi32>
        %lt3A_323 = arith.cmpi slt, %max3A_201, %lt3A_322 : vector<16xi32>
        %add3A_324 = arith.constant 16 : i32
        %add3A_325 = vector.broadcast %add3A_324 : i32 to vector<16xi32>
        %add3A_326 = arith.addi %max3A_201, %add3A_325 : vector<16xi32>
        %select_n3A_327 = arith.select %lt3A_323, %add3A_326, %max3A_201 : vector<16xi1>, vector<16xi32>
        %broadcast_in_dim3A_328 = vector.shape_cast %select_n3A_327 : vector<16xi32> to vector<16x1xi32>
        %gather3A_329 = vector.shape_cast %broadcast_in_dim3A_328 : vector<16x1xi32> to vector<16xi32>
        %gather3A_330 = tpu.dynamic_gather %masked_cumsum3A_320[%gather3A_329] in [0] : vector<16xf32>, vector<16xi32> -> vector<16xf32>
        %jit3A_331 = arith.constant 0.000000e+00 : f32
        %broadcast_in_dim3A_332 = vector.broadcast %jit3A_331 : f32 to vector<16xf32>
        %select_n3A_333 = arith.select %ge3A_198, %gather3A_330, %broadcast_in_dim3A_332 : vector<16xi1>, vector<16xf32>
        %sub3A_334 = arith.subf %masked_cumsum3A_320, %select_n3A_333 : vector<16xf32>
        tpu.vector_store_idx %arg10[%add3A_317], %sub3A_334 masked %or3A {add = true} : memref<81920xf32, #tpu.memory_space<vmem>>[vector<16xi32>], vector<16xf32>, vector<16xi1>
        %add3A_335 = arith.constant 16384 : i32
        %add3A_336 = vector.broadcast %add3A_335 : i32 to vector<16xi32>
        %add3A_337 = arith.addi %gather3A, %add3A_336 : vector<16xi32>
        %broadcast_in_dim3A_338 = arith.constant true
        %broadcast_in_dim3A_339 = vector.broadcast %broadcast_in_dim3A_338 : i1 to vector<16xi1>
        %masked_cumsum3A_340 = tpu.scan <sum>, %mul3A_294 masked %broadcast_in_dim3A_339 : vector<16xf32>, vector<16xi1> -> vector<16xf32>
        %lt3A_341 = arith.constant 0 : i32
        %lt3A_342 = vector.broadcast %lt3A_341 : i32 to vector<16xi32>
        %lt3A_343 = arith.cmpi slt, %max3A_201, %lt3A_342 : vector<16xi32>
        %add3A_344 = arith.constant 16 : i32
        %add3A_345 = vector.broadcast %add3A_344 : i32 to vector<16xi32>
        %add3A_346 = arith.addi %max3A_201, %add3A_345 : vector<16xi32>
        %select_n3A_347 = arith.select %lt3A_343, %add3A_346, %max3A_201 : vector<16xi1>, vector<16xi32>
        %broadcast_in_dim3A_348 = vector.shape_cast %select_n3A_347 : vector<16xi32> to vector<16x1xi32>
        %gather3A_349 = vector.shape_cast %broadcast_in_dim3A_348 : vector<16x1xi32> to vector<16xi32>
        %gather3A_350 = tpu.dynamic_gather %masked_cumsum3A_340[%gather3A_349] in [0] : vector<16xf32>, vector<16xi32> -> vector<16xf32>
        %jit3A_351 = arith.constant 0.000000e+00 : f32
        %broadcast_in_dim3A_352 = vector.broadcast %jit3A_351 : f32 to vector<16xf32>
        %select_n3A_353 = arith.select %ge3A_198, %gather3A_350, %broadcast_in_dim3A_352 : vector<16xi1>, vector<16xf32>
        %sub3A_354 = arith.subf %masked_cumsum3A_340, %select_n3A_353 : vector<16xf32>
        tpu.vector_store_idx %arg10[%add3A_337], %sub3A_354 masked %or3A {add = true} : memref<81920xf32, #tpu.memory_space<vmem>>[vector<16xi32>], vector<16xf32>, vector<16xi1>
        %add3A_355 = arith.constant 24576 : i32
        %add3A_356 = vector.broadcast %add3A_355 : i32 to vector<16xi32>
        %add3A_357 = arith.addi %gather3A, %add3A_356 : vector<16xi32>
        %broadcast_in_dim3A_358 = arith.constant true
        %broadcast_in_dim3A_359 = vector.broadcast %broadcast_in_dim3A_358 : i1 to vector<16xi1>
        %masked_cumsum3A_360 = tpu.scan <sum>, %mul3A_296 masked %broadcast_in_dim3A_359 : vector<16xf32>, vector<16xi1> -> vector<16xf32>
        %lt3A_361 = arith.constant 0 : i32
        %lt3A_362 = vector.broadcast %lt3A_361 : i32 to vector<16xi32>
        %lt3A_363 = arith.cmpi slt, %max3A_201, %lt3A_362 : vector<16xi32>
        %add3A_364 = arith.constant 16 : i32
        %add3A_365 = vector.broadcast %add3A_364 : i32 to vector<16xi32>
        %add3A_366 = arith.addi %max3A_201, %add3A_365 : vector<16xi32>
        %select_n3A_367 = arith.select %lt3A_363, %add3A_366, %max3A_201 : vector<16xi1>, vector<16xi32>
        %broadcast_in_dim3A_368 = vector.shape_cast %select_n3A_367 : vector<16xi32> to vector<16x1xi32>
        %gather3A_369 = vector.shape_cast %broadcast_in_dim3A_368 : vector<16x1xi32> to vector<16xi32>
        %gather3A_370 = tpu.dynamic_gather %masked_cumsum3A_360[%gather3A_369] in [0] : vector<16xf32>, vector<16xi32> -> vector<16xf32>
        %jit3A_371 = arith.constant 0.000000e+00 : f32
        %broadcast_in_dim3A_372 = vector.broadcast %jit3A_371 : f32 to vector<16xf32>
        %select_n3A_373 = arith.select %ge3A_198, %gather3A_370, %broadcast_in_dim3A_372 : vector<16xi1>, vector<16xf32>
        %sub3A_374 = arith.subf %masked_cumsum3A_360, %select_n3A_373 : vector<16xf32>
        tpu.vector_store_idx %arg10[%add3A_357], %sub3A_374 masked %or3A {add = true} : memref<81920xf32, #tpu.memory_space<vmem>>[vector<16xi32>], vector<16xf32>, vector<16xi1>
        %add3A_375 = arith.constant 32768 : i32
        %add3A_376 = vector.broadcast %add3A_375 : i32 to vector<16xi32>
        %add3A_377 = arith.addi %gather3A, %add3A_376 : vector<16xi32>
        %broadcast_in_dim3A_378 = arith.constant true
        %broadcast_in_dim3A_379 = vector.broadcast %broadcast_in_dim3A_378 : i1 to vector<16xi1>
        %masked_cumsum3A_380 = tpu.scan <sum>, %mul3A_298 masked %broadcast_in_dim3A_379 : vector<16xf32>, vector<16xi1> -> vector<16xf32>
        %lt3A_381 = arith.constant 0 : i32
        %lt3A_382 = vector.broadcast %lt3A_381 : i32 to vector<16xi32>
        %lt3A_383 = arith.cmpi slt, %max3A_201, %lt3A_382 : vector<16xi32>
        %add3A_384 = arith.constant 16 : i32
        %add3A_385 = vector.broadcast %add3A_384 : i32 to vector<16xi32>
        %add3A_386 = arith.addi %max3A_201, %add3A_385 : vector<16xi32>
        %select_n3A_387 = arith.select %lt3A_383, %add3A_386, %max3A_201 : vector<16xi1>, vector<16xi32>
        %broadcast_in_dim3A_388 = vector.shape_cast %select_n3A_387 : vector<16xi32> to vector<16x1xi32>
        %gather3A_389 = vector.shape_cast %broadcast_in_dim3A_388 : vector<16x1xi32> to vector<16xi32>
        %gather3A_390 = tpu.dynamic_gather %masked_cumsum3A_380[%gather3A_389] in [0] : vector<16xf32>, vector<16xi32> -> vector<16xf32>
        %jit3A_391 = arith.constant 0.000000e+00 : f32
        %broadcast_in_dim3A_392 = vector.broadcast %jit3A_391 : f32 to vector<16xf32>
        %select_n3A_393 = arith.select %ge3A_198, %gather3A_390, %broadcast_in_dim3A_392 : vector<16xi1>, vector<16xf32>
        %sub3A_394 = arith.subf %masked_cumsum3A_380, %select_n3A_393 : vector<16xf32>
        tpu.vector_store_idx %arg10[%add3A_377], %sub3A_394 masked %or3A {add = true} : memref<81920xf32, #tpu.memory_space<vmem>>[vector<16xi32>], vector<16xf32>, vector<16xi1>
        %add3A_395 = arith.constant 40960 : i32
        %add3A_396 = vector.broadcast %add3A_395 : i32 to vector<16xi32>
        %add3A_397 = arith.addi %gather3A, %add3A_396 : vector<16xi32>
        %mul3A_398 = arith.mulf %mul3A_290, %mul3A_290 : vector<16xf32>
        %broadcast_in_dim3A_399 = arith.constant true
        %broadcast_in_dim3A_400 = vector.broadcast %broadcast_in_dim3A_399 : i1 to vector<16xi1>
        %masked_cumsum3A_401 = tpu.scan <sum>, %mul3A_398 masked %broadcast_in_dim3A_400 : vector<16xf32>, vector<16xi1> -> vector<16xf32>
        %lt3A_402 = arith.constant 0 : i32
        %lt3A_403 = vector.broadcast %lt3A_402 : i32 to vector<16xi32>
        %lt3A_404 = arith.cmpi slt, %max3A_201, %lt3A_403 : vector<16xi32>
        %add3A_405 = arith.constant 16 : i32
        %add3A_406 = vector.broadcast %add3A_405 : i32 to vector<16xi32>
        %add3A_407 = arith.addi %max3A_201, %add3A_406 : vector<16xi32>
        %select_n3A_408 = arith.select %lt3A_404, %add3A_407, %max3A_201 : vector<16xi1>, vector<16xi32>
        %broadcast_in_dim3A_409 = vector.shape_cast %select_n3A_408 : vector<16xi32> to vector<16x1xi32>
        %gather3A_410 = vector.shape_cast %broadcast_in_dim3A_409 : vector<16x1xi32> to vector<16xi32>
        %gather3A_411 = tpu.dynamic_gather %masked_cumsum3A_401[%gather3A_410] in [0] : vector<16xf32>, vector<16xi32> -> vector<16xf32>
        %jit3A_412 = arith.constant 0.000000e+00 : f32
        %broadcast_in_dim3A_413 = vector.broadcast %jit3A_412 : f32 to vector<16xf32>
        %select_n3A_414 = arith.select %ge3A_198, %gather3A_411, %broadcast_in_dim3A_413 : vector<16xi1>, vector<16xf32>
        %sub3A_415 = arith.subf %masked_cumsum3A_401, %select_n3A_414 : vector<16xf32>
        tpu.vector_store_idx %arg10[%add3A_397], %sub3A_415 masked %or3A {add = true} : memref<81920xf32, #tpu.memory_space<vmem>>[vector<16xi32>], vector<16xf32>, vector<16xi1>
        %add3A_416 = arith.constant 49152 : i32
        %add3A_417 = vector.broadcast %add3A_416 : i32 to vector<16xi32>
        %add3A_418 = arith.addi %gather3A, %add3A_417 : vector<16xi32>
        %mul3A_419 = arith.mulf %mul3A_292, %mul3A_292 : vector<16xf32>
        %broadcast_in_dim3A_420 = arith.constant true
        %broadcast_in_dim3A_421 = vector.broadcast %broadcast_in_dim3A_420 : i1 to vector<16xi1>
        %masked_cumsum3A_422 = tpu.scan <sum>, %mul3A_419 masked %broadcast_in_dim3A_421 : vector<16xf32>, vector<16xi1> -> vector<16xf32>
        %lt3A_423 = arith.constant 0 : i32
        %lt3A_424 = vector.broadcast %lt3A_423 : i32 to vector<16xi32>
        %lt3A_425 = arith.cmpi slt, %max3A_201, %lt3A_424 : vector<16xi32>
        %add3A_426 = arith.constant 16 : i32
        %add3A_427 = vector.broadcast %add3A_426 : i32 to vector<16xi32>
        %add3A_428 = arith.addi %max3A_201, %add3A_427 : vector<16xi32>
        %select_n3A_429 = arith.select %lt3A_425, %add3A_428, %max3A_201 : vector<16xi1>, vector<16xi32>
        %broadcast_in_dim3A_430 = vector.shape_cast %select_n3A_429 : vector<16xi32> to vector<16x1xi32>
        %gather3A_431 = vector.shape_cast %broadcast_in_dim3A_430 : vector<16x1xi32> to vector<16xi32>
        %gather3A_432 = tpu.dynamic_gather %masked_cumsum3A_422[%gather3A_431] in [0] : vector<16xf32>, vector<16xi32> -> vector<16xf32>
        %jit3A_433 = arith.constant 0.000000e+00 : f32
        %broadcast_in_dim3A_434 = vector.broadcast %jit3A_433 : f32 to vector<16xf32>
        %select_n3A_435 = arith.select %ge3A_198, %gather3A_432, %broadcast_in_dim3A_434 : vector<16xi1>, vector<16xf32>
        %sub3A_436 = arith.subf %masked_cumsum3A_422, %select_n3A_435 : vector<16xf32>
        tpu.vector_store_idx %arg10[%add3A_418], %sub3A_436 masked %or3A {add = true} : memref<81920xf32, #tpu.memory_space<vmem>>[vector<16xi32>], vector<16xf32>, vector<16xi1>
        %add3A_437 = arith.constant 57344 : i32
        %add3A_438 = vector.broadcast %add3A_437 : i32 to vector<16xi32>
        %add3A_439 = arith.addi %gather3A, %add3A_438 : vector<16xi32>
        %mul3A_440 = arith.mulf %mul3A_294, %mul3A_294 : vector<16xf32>
        %broadcast_in_dim3A_441 = arith.constant true
        %broadcast_in_dim3A_442 = vector.broadcast %broadcast_in_dim3A_441 : i1 to vector<16xi1>
        %masked_cumsum3A_443 = tpu.scan <sum>, %mul3A_440 masked %broadcast_in_dim3A_442 : vector<16xf32>, vector<16xi1> -> vector<16xf32>
        %lt3A_444 = arith.constant 0 : i32
        %lt3A_445 = vector.broadcast %lt3A_444 : i32 to vector<16xi32>
        %lt3A_446 = arith.cmpi slt, %max3A_201, %lt3A_445 : vector<16xi32>
        %add3A_447 = arith.constant 16 : i32
        %add3A_448 = vector.broadcast %add3A_447 : i32 to vector<16xi32>
        %add3A_449 = arith.addi %max3A_201, %add3A_448 : vector<16xi32>
        %select_n3A_450 = arith.select %lt3A_446, %add3A_449, %max3A_201 : vector<16xi1>, vector<16xi32>
        %broadcast_in_dim3A_451 = vector.shape_cast %select_n3A_450 : vector<16xi32> to vector<16x1xi32>
        %gather3A_452 = vector.shape_cast %broadcast_in_dim3A_451 : vector<16x1xi32> to vector<16xi32>
        %gather3A_453 = tpu.dynamic_gather %masked_cumsum3A_443[%gather3A_452] in [0] : vector<16xf32>, vector<16xi32> -> vector<16xf32>
        %jit3A_454 = arith.constant 0.000000e+00 : f32
        %broadcast_in_dim3A_455 = vector.broadcast %jit3A_454 : f32 to vector<16xf32>
        %select_n3A_456 = arith.select %ge3A_198, %gather3A_453, %broadcast_in_dim3A_455 : vector<16xi1>, vector<16xf32>
        %sub3A_457 = arith.subf %masked_cumsum3A_443, %select_n3A_456 : vector<16xf32>
        tpu.vector_store_idx %arg10[%add3A_439], %sub3A_457 masked %or3A {add = true} : memref<81920xf32, #tpu.memory_space<vmem>>[vector<16xi32>], vector<16xf32>, vector<16xi1>
        %add3A_458 = arith.constant 65536 : i32
        %add3A_459 = vector.broadcast %add3A_458 : i32 to vector<16xi32>
        %add3A_460 = arith.addi %gather3A, %add3A_459 : vector<16xi32>
        %mul3A_461 = arith.mulf %mul3A_296, %mul3A_296 : vector<16xf32>
        %broadcast_in_dim3A_462 = arith.constant true
        %broadcast_in_dim3A_463 = vector.broadcast %broadcast_in_dim3A_462 : i1 to vector<16xi1>
        %masked_cumsum3A_464 = tpu.scan <sum>, %mul3A_461 masked %broadcast_in_dim3A_463 : vector<16xf32>, vector<16xi1> -> vector<16xf32>
        %lt3A_465 = arith.constant 0 : i32
        %lt3A_466 = vector.broadcast %lt3A_465 : i32 to vector<16xi32>
        %lt3A_467 = arith.cmpi slt, %max3A_201, %lt3A_466 : vector<16xi32>
        %add3A_468 = arith.constant 16 : i32
        %add3A_469 = vector.broadcast %add3A_468 : i32 to vector<16xi32>
        %add3A_470 = arith.addi %max3A_201, %add3A_469 : vector<16xi32>
        %select_n3A_471 = arith.select %lt3A_467, %add3A_470, %max3A_201 : vector<16xi1>, vector<16xi32>
        %broadcast_in_dim3A_472 = vector.shape_cast %select_n3A_471 : vector<16xi32> to vector<16x1xi32>
        %gather3A_473 = vector.shape_cast %broadcast_in_dim3A_472 : vector<16x1xi32> to vector<16xi32>
        %gather3A_474 = tpu.dynamic_gather %masked_cumsum3A_464[%gather3A_473] in [0] : vector<16xf32>, vector<16xi32> -> vector<16xf32>
        %jit3A_475 = arith.constant 0.000000e+00 : f32
        %broadcast_in_dim3A_476 = vector.broadcast %jit3A_475 : f32 to vector<16xf32>
        %select_n3A_477 = arith.select %ge3A_198, %gather3A_474, %broadcast_in_dim3A_476 : vector<16xi1>, vector<16xf32>
        %sub3A_478 = arith.subf %masked_cumsum3A_464, %select_n3A_477 : vector<16xf32>
        tpu.vector_store_idx %arg10[%add3A_460], %sub3A_478 masked %or3A {add = true} : memref<81920xf32, #tpu.memory_space<vmem>>[vector<16xi32>], vector<16xf32>, vector<16xi1>
        %add3A_479 = arith.constant 73728 : i32
        %add3A_480 = vector.broadcast %add3A_479 : i32 to vector<16xi32>
        %add3A_481 = arith.addi %gather3A, %add3A_480 : vector<16xi32>
        %mul3A_482 = arith.mulf %mul3A_298, %mul3A_298 : vector<16xf32>
        %broadcast_in_dim3A_483 = arith.constant true
        %broadcast_in_dim3A_484 = vector.broadcast %broadcast_in_dim3A_483 : i1 to vector<16xi1>
        %masked_cumsum3A_485 = tpu.scan <sum>, %mul3A_482 masked %broadcast_in_dim3A_484 : vector<16xf32>, vector<16xi1> -> vector<16xf32>
        %lt3A_486 = arith.constant 0 : i32
        %lt3A_487 = vector.broadcast %lt3A_486 : i32 to vector<16xi32>
        %lt3A_488 = arith.cmpi slt, %max3A_201, %lt3A_487 : vector<16xi32>
        %add3A_489 = arith.constant 16 : i32
        %add3A_490 = vector.broadcast %add3A_489 : i32 to vector<16xi32>
        %add3A_491 = arith.addi %max3A_201, %add3A_490 : vector<16xi32>
        %select_n3A_492 = arith.select %lt3A_488, %add3A_491, %max3A_201 : vector<16xi1>, vector<16xi32>
        %broadcast_in_dim3A_493 = vector.shape_cast %select_n3A_492 : vector<16xi32> to vector<16x1xi32>
        %gather3A_494 = vector.shape_cast %broadcast_in_dim3A_493 : vector<16x1xi32> to vector<16xi32>
        %gather3A_495 = tpu.dynamic_gather %masked_cumsum3A_485[%gather3A_494] in [0] : vector<16xf32>, vector<16xi32> -> vector<16xf32>
        %jit3A_496 = arith.constant 0.000000e+00 : f32
        %broadcast_in_dim3A_497 = vector.broadcast %jit3A_496 : f32 to vector<16xf32>
        %select_n3A_498 = arith.select %ge3A_198, %gather3A_495, %broadcast_in_dim3A_497 : vector<16xi1>, vector<16xf32>
        %sub3A_499 = arith.subf %masked_cumsum3A_485, %select_n3A_498 : vector<16xf32>
        tpu.vector_store_idx %arg10[%add3A_481], %sub3A_499 masked %or3A {add = true} : memref<81920xf32, #tpu.memory_space<vmem>>[vector<16xi32>], vector<16xf32>, vector<16xi1>
        scf.yield %add3A_283 : vector<16xf32>
      }
      %scan3A_90 = arith.constant 160 : i32
      %add3A_91 = arith.constant 2 : i32
      %add3A_92 = arith.addi %mul3A_56, %add3A_91 : i32
      %lt3A_93 = arith.constant 40 : i32
      %lt3A_94 = arith.cmpi slt, %add3A_92, %lt3A_93 : i32
      %convert_element_type3A_95 = arith.extui %lt3A_94 : i1 to i32
      %cond3A_96 = arith.constant 0 : i32
      %cond3A_97 = arith.cmpi ne, %convert_element_type3A_95, %cond3A_96 : i32
      scf.if %cond3A_97 {
        %add3A_132 = arith.constant 2 : i32
        %add3A_133 = arith.addi %mul3A_56, %add3A_132 : i32
        %mul3A_134 = arith.constant 2560 : i32
        %mul3A_135 = arith.muli %add3A_133, %mul3A_134 : i32
        %add3A_136 = arith.addi %mul3A_6, %mul3A_135 : i32
        %min3A_137 = arith.constant 3197440 : i32
        %min3A_138 = arith.minsi %add3A_136, %min3A_137 : i32
        %dma_start3A_139 = arith.constant 0 : i32
        %dma_start3A_140 = tpu.memref_slice %arg2[%dma_start3A_139, %min3A_138] : memref<6x3200000xf32, #tpu.memory_space<hbm>> -> memref<6x2560xf32, #tpu.memory_space<hbm>>
        %dma_start3A_141 = arith.constant 0 : i32
        %dma_start3A_142 = tpu.memref_slice %arg2[%dma_start3A_141, %min3A_138] : memref<6x3200000xf32, #tpu.memory_space<hbm>> -> memref<6x2560xf32, #tpu.memory_space<hbm>>
        tpu.enqueue_dma source(%dma_start3A_142 : memref<6x2560xf32, #tpu.memory_space<hbm>>) target(%arg6 : memref<6x2560xf32, #tpu.memory_space<vmem>>) target_semaphore(%arg12 : memref<!tpu.dma_semaphore, #tpu.memory_space<semaphore_mem>>)
        %mul3A_143 = arith.constant 2560 : i32
        %mul3A_144 = arith.muli %add3A_133, %mul3A_143 : i32
        %add3A_145 = arith.addi %mul3A_6, %mul3A_144 : i32
        %min3A_146 = arith.constant 3197440 : i32
        %min3A_147 = arith.minsi %add3A_145, %min3A_146 : i32
        %dma_start3A_148 = tpu.memref_slice %arg3[%min3A_147] : memref<3200000xi32, #tpu.memory_space<hbm>> -> memref<2560xi32, #tpu.memory_space<hbm>>
        %dma_start3A_149 = tpu.memref_slice %arg3[%min3A_147] : memref<3200000xi32, #tpu.memory_space<hbm>> -> memref<2560xi32, #tpu.memory_space<hbm>>
        tpu.enqueue_dma source(%dma_start3A_149 : memref<2560xi32, #tpu.memory_space<hbm>>) target(%arg8 : memref<2560xi32, #tpu.memory_space<vmem>>) target_semaphore(%arg14 : memref<!tpu.dma_semaphore, #tpu.memory_space<semaphore_mem>>)
      } else {
      }
      %add3A_98 = arith.constant 1 : i32
      %add3A_99 = arith.addi %mul3A_56, %add3A_98 : i32
      %mul3A_100 = arith.constant 2560 : i32
      %mul3A_101 = arith.muli %add3A_99, %mul3A_100 : i32
      %add3A_102 = arith.addi %mul3A_6, %mul3A_101 : i32
      %min3A_103 = arith.constant 3197440 : i32
      %min3A_104 = arith.minsi %add3A_102, %min3A_103 : i32
      %dma_wait3A_105 = arith.constant 0 : i32
      %dma_wait3A_106 = tpu.memref_slice %arg2[%dma_wait3A_105, %min3A_104] : memref<6x3200000xf32, #tpu.memory_space<hbm>> -> memref<6x2560xf32, #tpu.memory_space<hbm>>
      %dma_wait3A_107 = arith.constant 0 : i32
      %dma_wait3A_108 = tpu.memref_slice %arg2[%dma_wait3A_107, %min3A_104] : memref<6x3200000xf32, #tpu.memory_space<hbm>> -> memref<6x2560xf32, #tpu.memory_space<hbm>>
      tpu.wait_dma2 semaphore(%arg13 : memref<!tpu.dma_semaphore, #tpu.memory_space<semaphore_mem>>) src(%dma_wait3A_108 : memref<6x2560xf32, #tpu.memory_space<hbm>>) dst(%arg7 : memref<6x2560xf32, #tpu.memory_space<vmem>>)
      %mul3A_109 = arith.constant 2560 : i32
      %mul3A_110 = arith.muli %add3A_99, %mul3A_109 : i32
      %add3A_111 = arith.addi %mul3A_6, %mul3A_110 : i32
      %min3A_112 = arith.constant 3197440 : i32
      %min3A_113 = arith.minsi %add3A_111, %min3A_112 : i32
      %dma_wait3A_114 = tpu.memref_slice %arg3[%min3A_113] : memref<3200000xi32, #tpu.memory_space<hbm>> -> memref<2560xi32, #tpu.memory_space<hbm>>
      %dma_wait3A_115 = tpu.memref_slice %arg3[%min3A_113] : memref<3200000xi32, #tpu.memory_space<hbm>> -> memref<2560xi32, #tpu.memory_space<hbm>>
      tpu.wait_dma2 semaphore(%arg15 : memref<!tpu.dma_semaphore, #tpu.memory_space<semaphore_mem>>) src(%dma_wait3A_115 : memref<2560xi32, #tpu.memory_space<hbm>>) dst(%arg9 : memref<2560xi32, #tpu.memory_space<vmem>>)
      %add3A_116 = arith.constant 1 : i32
      %add3A_117 = arith.addi %mul3A_56, %add3A_116 : i32
      %mul3A_118 = arith.constant 2560 : i32
      %mul3A_119 = arith.muli %add3A_117, %mul3A_118 : i32
      %add3A_120 = arith.addi %mul3A_6, %mul3A_119 : i32
      %mul3A_121 = arith.constant 2560 : i32
      %mul3A_122 = arith.muli %add3A_117, %mul3A_121 : i32
      %add3A_123 = arith.addi %mul3A_6, %mul3A_122 : i32
      %min3A_124 = arith.constant 3197440 : i32
      %min3A_125 = arith.minsi %add3A_123, %min3A_124 : i32
      %scan3A_126 = arith.constant 0 : i32
      %scan3A_127 = arith.constant 160 : i32
      %scan3A_128 = arith.addi %scan3A_126, %scan3A_127 : i32
      %scan3A_129 = arith.constant 1 : i32
      %scan3A_130 = scf.for %scan3A_132 = %scan3A_126 to %scan3A_128 step %scan3A_129 iter_args(%scan3A_133 = %scan3A_89) -> (vector<16xf32>)  : i32 {
        %add3A_134 = vector.broadcast %scan3A_132 : i32 to vector<16xi32>
        %add3A_135 = arith.addi %iota3A, %add3A_134 : vector<16xi32>
        %ge3A = arith.constant 160 : i32
        %ge3A_136 = vector.broadcast %ge3A : i32 to vector<16xi32>
        %ge3A_137 = arith.cmpi sge, %add3A_135, %ge3A_136 : vector<16xi32>
        %sub3A = arith.constant 160 : i32
        %sub3A_138 = vector.broadcast %sub3A : i32 to vector<16xi32>
        %sub3A_139 = arith.subi %add3A_135, %sub3A_138 : vector<16xi32>
        %select_n3A_140 = arith.select %ge3A_137, %sub3A_139, %add3A_135 : vector<16xi1>, vector<16xi32>
        %add3A_141 = arith.addi %mul3A_16, %select_n3A_140 : vector<16xi32>
        %add3A_142 = vector.broadcast %min3A_125 : i32 to vector<16xi32>
        %add3A_143 = arith.addi %add3A_141, %add3A_142 : vector<16xi32>
        %ge3A_144 = vector.broadcast %add3A_120 : i32 to vector<16xi32>
        %ge3A_145 = arith.cmpi sge, %add3A_143, %ge3A_144 : vector<16xi32>
        %lt3A_146 = vector.broadcast %add3A_13 : i32 to vector<16xi32>
        %lt3A_147 = arith.cmpi slt, %add3A_143, %lt3A_146 : vector<16xi32>
        %and3A = arith.andi %ge3A_145, %lt3A_147 : vector<16xi1>
        %gather3A = tpu.vector_load_idx %arg9[%add3A_141] : memref<2560xi32, #tpu.memory_space<vmem>>[vector<16xi32>], vector<16xi32>,
        %add3A_148 = arith.constant 1 : i32
        %add3A_149 = vector.broadcast %add3A_148 : i32 to vector<16xi32>
        %add3A_150 = arith.addi %iota3A, %add3A_149 : vector<16xi32>
        %min3A_151 = arith.constant 15 : i32
        %min3A_152 = vector.broadcast %min3A_151 : i32 to vector<16xi32>
        %min3A_153 = arith.minsi %add3A_150, %min3A_152 : vector<16xi32>
        %lt3A_154 = arith.constant 0 : i32
        %lt3A_155 = vector.broadcast %lt3A_154 : i32 to vector<16xi32>
        %lt3A_156 = arith.cmpi slt, %min3A_153, %lt3A_155 : vector<16xi32>
        %add3A_157 = arith.constant 16 : i32
        %add3A_158 = vector.broadcast %add3A_157 : i32 to vector<16xi32>
        %add3A_159 = arith.addi %min3A_153, %add3A_158 : vector<16xi32>
        %select_n3A_160 = arith.select %lt3A_156, %add3A_159, %min3A_153 : vector<16xi1>, vector<16xi32>
        %broadcast_in_dim3A_161 = vector.shape_cast %select_n3A_160 : vector<16xi32> to vector<16x1xi32>
        %gather3A_162 = vector.shape_cast %broadcast_in_dim3A_161 : vector<16x1xi32> to vector<16xi32>
        %gather3A_163 = tpu.dynamic_gather %gather3A[%gather3A_162] in [0] : vector<16xi32>, vector<16xi32> -> vector<16xi32>
        %ne3A = arith.cmpi ne, %gather3A, %gather3A_163 : vector<16xi32>
        %eq3A = arith.constant 15 : i32
        %eq3A_164 = vector.broadcast %eq3A : i32 to vector<16xi32>
        %eq3A_165 = arith.cmpi eq, %iota3A, %eq3A_164 : vector<16xi32>
        %or3A = arith.ori %ne3A, %eq3A_165 : vector<16xi1>
        %jit3A_166 = arith.constant -1 : i32
        %broadcast_in_dim3A_167 = vector.broadcast %jit3A_166 : i32 to vector<16xi32>
        %select_n3A_168 = arith.select %or3A, %iota3A, %broadcast_in_dim3A_167 : vector<16xi1>, vector<16xi32>
        %broadcast_in_dim3A_169 = arith.constant true
        %broadcast_in_dim3A_170 = vector.broadcast %broadcast_in_dim3A_169 : i1 to vector<16xi1>
        %masked_cummax3A = arith.constant -2147483648 : i32
        %masked_cummax3A_171 = vector.broadcast %masked_cummax3A : i32 to vector<16xi32>
        %masked_cummax3A_172 = arith.xori %select_n3A_168, %masked_cummax3A_171 : vector<16xi32>
        %masked_cummax3A_173 = tpu.scan <max>, %masked_cummax3A_172 masked %broadcast_in_dim3A_170 : vector<16xi32>, vector<16xi1> -> vector<16xi32>
        %masked_cummax3A_174 = arith.xori %masked_cummax3A_173, %masked_cummax3A_171 : vector<16xi32>
        %sub3A_175 = arith.constant 1 : i32
        %sub3A_176 = vector.broadcast %sub3A_175 : i32 to vector<16xi32>
        %sub3A_177 = arith.subi %iota3A, %sub3A_176 : vector<16xi32>
        %max3A = arith.constant 0 : i32
        %max3A_178 = vector.broadcast %max3A : i32 to vector<16xi32>
        %max3A_179 = arith.maxsi %sub3A_177, %max3A_178 : vector<16xi32>
        %lt3A_180 = arith.constant 0 : i32
        %lt3A_181 = vector.broadcast %lt3A_180 : i32 to vector<16xi32>
        %lt3A_182 = arith.cmpi slt, %max3A_179, %lt3A_181 : vector<16xi32>
        %add3A_183 = arith.constant 16 : i32
        %add3A_184 = vector.broadcast %add3A_183 : i32 to vector<16xi32>
        %add3A_185 = arith.addi %max3A_179, %add3A_184 : vector<16xi32>
        %select_n3A_186 = arith.select %lt3A_182, %add3A_185, %max3A_179 : vector<16xi1>, vector<16xi32>
        %broadcast_in_dim3A_187 = vector.shape_cast %select_n3A_186 : vector<16xi32> to vector<16x1xi32>
        %gather3A_188 = vector.shape_cast %broadcast_in_dim3A_187 : vector<16x1xi32> to vector<16xi32>
        %gather3A_189 = tpu.dynamic_gather %masked_cummax3A_174[%gather3A_188] in [0] : vector<16xi32>, vector<16xi32> -> vector<16xi32>
        %eq3A_190 = arith.constant 0 : i32
        %eq3A_191 = vector.broadcast %eq3A_190 : i32 to vector<16xi32>
        %eq3A_192 = arith.cmpi eq, %iota3A, %eq3A_191 : vector<16xi32>
        %jit3A_193 = arith.constant -1 : i32
        %broadcast_in_dim3A_194 = vector.broadcast %jit3A_193 : i32 to vector<16xi32>
        %select_n3A_195 = arith.select %eq3A_192, %broadcast_in_dim3A_194, %gather3A_189 : vector<16xi1>, vector<16xi32>
        %ge3A_196 = arith.constant 0 : i32
        %ge3A_197 = vector.broadcast %ge3A_196 : i32 to vector<16xi32>
        %ge3A_198 = arith.cmpi sge, %select_n3A_195, %ge3A_197 : vector<16xi32>
        %max3A_199 = arith.constant 0 : i32
        %max3A_200 = vector.broadcast %max3A_199 : i32 to vector<16xi32>
        %max3A_201 = arith.maxsi %select_n3A_195, %max3A_200 : vector<16xi32>
        %gather3A_202 = tpu.vector_load_idx %arg7[%broadcast_in_dim3A_17, %add3A_141] : memref<6x2560xf32, #tpu.memory_space<vmem>>[vector<16xi32>, vector<16xi32>], vector<16xf32>,
        %gather3A_203 = tpu.vector_load_idx %arg7[%broadcast_in_dim3A_19, %add3A_141] : memref<6x2560xf32, #tpu.memory_space<vmem>>[vector<16xi32>, vector<16xi32>], vector<16xf32>,
        %gather3A_204 = tpu.vector_load_idx %arg7[%broadcast_in_dim3A_21, %add3A_141] : memref<6x2560xf32, #tpu.memory_space<vmem>>[vector<16xi32>, vector<16xi32>], vector<16xf32>,
        %gather3A_205 = tpu.vector_load_idx %arg7[%broadcast_in_dim3A_23, %add3A_141] : memref<6x2560xf32, #tpu.memory_space<vmem>>[vector<16xi32>, vector<16xi32>], vector<16xf32>,
        %gather3A_206 = tpu.vector_load_idx %arg7[%broadcast_in_dim3A_25, %add3A_141] : memref<6x2560xf32, #tpu.memory_space<vmem>>[vector<16xi32>, vector<16xi32>], vector<16xf32>,
        %max3A_207 = arith.maximumf %gather3A_202, %gather3A_203 : vector<16xf32>
        %max3A_208 = arith.maximumf %gather3A_204, %gather3A_205 : vector<16xf32>
        %max3A_209 = arith.maximumf %max3A_207, %max3A_208 : vector<16xf32>
        %max3A_210 = arith.maximumf %max3A_209, %gather3A_206 : vector<16xf32>
        %sub3A_211 = arith.subf %gather3A_202, %max3A_210 : vector<16xf32>
        %sub3A_212 = arith.subf %gather3A_203, %max3A_210 : vector<16xf32>
        %sub3A_213 = arith.subf %gather3A_204, %max3A_210 : vector<16xf32>
        %sub3A_214 = arith.subf %gather3A_205, %max3A_210 : vector<16xf32>
        %sub3A_215 = arith.subf %gather3A_206, %max3A_210 : vector<16xf32>
        %exp3A = math.exp %sub3A_211 : vector<16xf32>
        %exp3A_216 = math.exp %sub3A_212 : vector<16xf32>
        %exp3A_217 = math.exp %sub3A_213 : vector<16xf32>
        %exp3A_218 = math.exp %sub3A_214 : vector<16xf32>
        %exp3A_219 = math.exp %sub3A_215 : vector<16xf32>
        %add3A_220 = arith.addf %exp3A, %exp3A_216 : vector<16xf32>
        %add3A_221 = arith.addf %exp3A_217, %exp3A_218 : vector<16xf32>
        %add3A_222 = arith.addf %add3A_220, %add3A_221 : vector<16xf32>
        %add3A_223 = arith.addf %add3A_222, %exp3A_219 : vector<16xf32>
        %div3A = arith.constant 1.000000e+00 : f32
        %div3A_224 = vector.broadcast %div3A : f32 to vector<16xf32>
        %div3A_225 = arith.divf %div3A_224, %add3A_223 : vector<16xf32>
        %mul3A_226 = arith.mulf %exp3A, %sub3A_211 : vector<16xf32>
        %mul3A_227 = arith.mulf %exp3A_216, %sub3A_212 : vector<16xf32>
        %add3A_228 = arith.addf %mul3A_226, %mul3A_227 : vector<16xf32>
        %mul3A_229 = arith.mulf %exp3A_217, %sub3A_213 : vector<16xf32>
        %mul3A_230 = arith.mulf %exp3A_218, %sub3A_214 : vector<16xf32>
        %add3A_231 = arith.addf %mul3A_229, %mul3A_230 : vector<16xf32>
        %add3A_232 = arith.addf %add3A_228, %add3A_231 : vector<16xf32>
        %mul3A_233 = arith.mulf %exp3A_219, %sub3A_215 : vector<16xf32>
        %add3A_234 = arith.addf %add3A_232, %mul3A_233 : vector<16xf32>
        %bitcast3A = vector.bitcast %add3A_223 : vector<16xf32> to vector<16xi32>
        %shift_right_logical3A = arith.constant 23 : i32
        %shift_right_logical3A_235 = vector.broadcast %shift_right_logical3A : i32 to vector<16xi32>
        %shift_right_logical3A_236 = arith.shrui %bitcast3A, %shift_right_logical3A_235 : vector<16xi32>
        %sub3A_237 = arith.constant 127 : i32
        %sub3A_238 = vector.broadcast %sub3A_237 : i32 to vector<16xi32>
        %sub3A_239 = arith.subi %shift_right_logical3A_236, %sub3A_238 : vector<16xi32>
        %and3A_240 = arith.constant 8388607 : i32
        %and3A_241 = vector.broadcast %and3A_240 : i32 to vector<16xi32>
        %and3A_242 = arith.andi %bitcast3A, %and3A_241 : vector<16xi32>
        %or3A_243 = arith.constant 1065353216 : i32
        %or3A_244 = vector.broadcast %or3A_243 : i32 to vector<16xi32>
        %or3A_245 = arith.ori %and3A_242, %or3A_244 : vector<16xi32>
        %bitcast3A_246 = vector.bitcast %or3A_245 : vector<16xi32> to vector<16xf32>
        %sub3A_247 = arith.constant 1.000000e+00 : f32
        %sub3A_248 = vector.broadcast %sub3A_247 : f32 to vector<16xf32>
        %sub3A_249 = arith.subf %bitcast3A_246, %sub3A_248 : vector<16xf32>
        %add3A_250 = arith.constant 2.000000e+00 : f32
        %add3A_251 = vector.broadcast %add3A_250 : f32 to vector<16xf32>
        %add3A_252 = arith.addf %sub3A_249, %add3A_251 : vector<16xf32>
        %div3A_253 = arith.divf %sub3A_249, %add3A_252 : vector<16xf32>
        %mul3A_254 = arith.mulf %div3A_253, %div3A_253 : vector<16xf32>
        %mul3A_255 = arith.constant 0.142857149 : f32
        %mul3A_256 = vector.broadcast %mul3A_255 : f32 to vector<16xf32>
        %mul3A_257 = arith.mulf %mul3A_256, %mul3A_254 : vector<16xf32>
        %add3A_258 = arith.constant 2.000000e-01 : f32
        %add3A_259 = vector.broadcast %add3A_258 : f32 to vector<16xf32>
        %add3A_260 = arith.addf %mul3A_257, %add3A_259 : vector<16xf32>
        %mul3A_261 = arith.mulf %add3A_260, %mul3A_254 : vector<16xf32>
        %add3A_262 = arith.constant 0.333333343 : f32
        %add3A_263 = vector.broadcast %add3A_262 : f32 to vector<16xf32>
        %add3A_264 = arith.addf %mul3A_261, %add3A_263 : vector<16xf32>
        %mul3A_265 = arith.mulf %add3A_264, %mul3A_254 : vector<16xf32>
        %add3A_266 = arith.constant 1.000000e+00 : f32
        %add3A_267 = vector.broadcast %add3A_266 : f32 to vector<16xf32>
        %add3A_268 = arith.addf %mul3A_265, %add3A_267 : vector<16xf32>
        %convert_element_type3A_269 = arith.sitofp %sub3A_239 : vector<16xi32> to vector<16xf32>
        %mul3A_270 = arith.constant 0.693147182 : f32
        %mul3A_271 = vector.broadcast %mul3A_270 : f32 to vector<16xf32>
        %mul3A_272 = arith.mulf %convert_element_type3A_269, %mul3A_271 : vector<16xf32>
        %mul3A_273 = arith.constant 2.000000e+00 : f32
        %mul3A_274 = vector.broadcast %mul3A_273 : f32 to vector<16xf32>
        %mul3A_275 = arith.mulf %mul3A_274, %div3A_253 : vector<16xf32>
        %mul3A_276 = arith.mulf %mul3A_275, %add3A_268 : vector<16xf32>
        %add3A_277 = arith.addf %mul3A_272, %mul3A_276 : vector<16xf32>
        %mul3A_278 = arith.mulf %add3A_234, %div3A_225 : vector<16xf32>
        %sub3A_279 = arith.subf %add3A_277, %mul3A_278 : vector<16xf32>
        %jit3A_280 = arith.constant 0.000000e+00 : f32
        %broadcast_in_dim3A_281 = vector.broadcast %jit3A_280 : f32 to vector<16xf32>
        %select_n3A_282 = arith.select %and3A, %sub3A_279, %broadcast_in_dim3A_281 : vector<16xi1>, vector<16xf32>
        %add3A_283 = arith.addf %scan3A_133, %select_n3A_282 : vector<16xf32>
        %jit3A_284 = arith.constant 1.000000e+00 : f32
        %jit3A_285 = arith.constant 0.000000e+00 : f32
        %broadcast_in_dim3A_286 = vector.broadcast %jit3A_284 : f32 to vector<16xf32>
        %broadcast_in_dim3A_287 = vector.broadcast %jit3A_285 : f32 to vector<16xf32>
        %select_n3A_288 = arith.select %and3A, %broadcast_in_dim3A_286, %broadcast_in_dim3A_287 : vector<16xi1>, vector<16xf32>
        %mul3A_289 = arith.mulf %exp3A, %div3A_225 : vector<16xf32>
        %mul3A_290 = arith.mulf %mul3A_289, %select_n3A_288 : vector<16xf32>
        %mul3A_291 = arith.mulf %exp3A_216, %div3A_225 : vector<16xf32>
        %mul3A_292 = arith.mulf %mul3A_291, %select_n3A_288 : vector<16xf32>
        %mul3A_293 = arith.mulf %exp3A_217, %div3A_225 : vector<16xf32>
        %mul3A_294 = arith.mulf %mul3A_293, %select_n3A_288 : vector<16xf32>
        %mul3A_295 = arith.mulf %exp3A_218, %div3A_225 : vector<16xf32>
        %mul3A_296 = arith.mulf %mul3A_295, %select_n3A_288 : vector<16xf32>
        %mul3A_297 = arith.mulf %exp3A_219, %div3A_225 : vector<16xf32>
        %mul3A_298 = arith.mulf %mul3A_297, %select_n3A_288 : vector<16xf32>
        %broadcast_in_dim3A_299 = arith.constant true
        %broadcast_in_dim3A_300 = vector.broadcast %broadcast_in_dim3A_299 : i1 to vector<16xi1>
        %masked_cumsum3A = tpu.scan <sum>, %mul3A_290 masked %broadcast_in_dim3A_300 : vector<16xf32>, vector<16xi1> -> vector<16xf32>
        %lt3A_301 = arith.constant 0 : i32
        %lt3A_302 = vector.broadcast %lt3A_301 : i32 to vector<16xi32>
        %lt3A_303 = arith.cmpi slt, %max3A_201, %lt3A_302 : vector<16xi32>
        %add3A_304 = arith.constant 16 : i32
        %add3A_305 = vector.broadcast %add3A_304 : i32 to vector<16xi32>
        %add3A_306 = arith.addi %max3A_201, %add3A_305 : vector<16xi32>
        %select_n3A_307 = arith.select %lt3A_303, %add3A_306, %max3A_201 : vector<16xi1>, vector<16xi32>
        %broadcast_in_dim3A_308 = vector.shape_cast %select_n3A_307 : vector<16xi32> to vector<16x1xi32>
        %gather3A_309 = vector.shape_cast %broadcast_in_dim3A_308 : vector<16x1xi32> to vector<16xi32>
        %gather3A_310 = tpu.dynamic_gather %masked_cumsum3A[%gather3A_309] in [0] : vector<16xf32>, vector<16xi32> -> vector<16xf32>
        %jit3A_311 = arith.constant 0.000000e+00 : f32
        %broadcast_in_dim3A_312 = vector.broadcast %jit3A_311 : f32 to vector<16xf32>
        %select_n3A_313 = arith.select %ge3A_198, %gather3A_310, %broadcast_in_dim3A_312 : vector<16xi1>, vector<16xf32>
        %sub3A_314 = arith.subf %masked_cumsum3A, %select_n3A_313 : vector<16xf32>
        tpu.vector_store_idx %arg10[%gather3A], %sub3A_314 masked %or3A {add = true} : memref<81920xf32, #tpu.memory_space<vmem>>[vector<16xi32>], vector<16xf32>, vector<16xi1>
        %add3A_315 = arith.constant 8192 : i32
        %add3A_316 = vector.broadcast %add3A_315 : i32 to vector<16xi32>
        %add3A_317 = arith.addi %gather3A, %add3A_316 : vector<16xi32>
        %broadcast_in_dim3A_318 = arith.constant true
        %broadcast_in_dim3A_319 = vector.broadcast %broadcast_in_dim3A_318 : i1 to vector<16xi1>
        %masked_cumsum3A_320 = tpu.scan <sum>, %mul3A_292 masked %broadcast_in_dim3A_319 : vector<16xf32>, vector<16xi1> -> vector<16xf32>
        %lt3A_321 = arith.constant 0 : i32
        %lt3A_322 = vector.broadcast %lt3A_321 : i32 to vector<16xi32>
        %lt3A_323 = arith.cmpi slt, %max3A_201, %lt3A_322 : vector<16xi32>
        %add3A_324 = arith.constant 16 : i32
        %add3A_325 = vector.broadcast %add3A_324 : i32 to vector<16xi32>
        %add3A_326 = arith.addi %max3A_201, %add3A_325 : vector<16xi32>
        %select_n3A_327 = arith.select %lt3A_323, %add3A_326, %max3A_201 : vector<16xi1>, vector<16xi32>
        %broadcast_in_dim3A_328 = vector.shape_cast %select_n3A_327 : vector<16xi32> to vector<16x1xi32>
        %gather3A_329 = vector.shape_cast %broadcast_in_dim3A_328 : vector<16x1xi32> to vector<16xi32>
        %gather3A_330 = tpu.dynamic_gather %masked_cumsum3A_320[%gather3A_329] in [0] : vector<16xf32>, vector<16xi32> -> vector<16xf32>
        %jit3A_331 = arith.constant 0.000000e+00 : f32
        %broadcast_in_dim3A_332 = vector.broadcast %jit3A_331 : f32 to vector<16xf32>
        %select_n3A_333 = arith.select %ge3A_198, %gather3A_330, %broadcast_in_dim3A_332 : vector<16xi1>, vector<16xf32>
        %sub3A_334 = arith.subf %masked_cumsum3A_320, %select_n3A_333 : vector<16xf32>
        tpu.vector_store_idx %arg10[%add3A_317], %sub3A_334 masked %or3A {add = true} : memref<81920xf32, #tpu.memory_space<vmem>>[vector<16xi32>], vector<16xf32>, vector<16xi1>
        %add3A_335 = arith.constant 16384 : i32
        %add3A_336 = vector.broadcast %add3A_335 : i32 to vector<16xi32>
        %add3A_337 = arith.addi %gather3A, %add3A_336 : vector<16xi32>
        %broadcast_in_dim3A_338 = arith.constant true
        %broadcast_in_dim3A_339 = vector.broadcast %broadcast_in_dim3A_338 : i1 to vector<16xi1>
        %masked_cumsum3A_340 = tpu.scan <sum>, %mul3A_294 masked %broadcast_in_dim3A_339 : vector<16xf32>, vector<16xi1> -> vector<16xf32>
        %lt3A_341 = arith.constant 0 : i32
        %lt3A_342 = vector.broadcast %lt3A_341 : i32 to vector<16xi32>
        %lt3A_343 = arith.cmpi slt, %max3A_201, %lt3A_342 : vector<16xi32>
        %add3A_344 = arith.constant 16 : i32
        %add3A_345 = vector.broadcast %add3A_344 : i32 to vector<16xi32>
        %add3A_346 = arith.addi %max3A_201, %add3A_345 : vector<16xi32>
        %select_n3A_347 = arith.select %lt3A_343, %add3A_346, %max3A_201 : vector<16xi1>, vector<16xi32>
        %broadcast_in_dim3A_348 = vector.shape_cast %select_n3A_347 : vector<16xi32> to vector<16x1xi32>
        %gather3A_349 = vector.shape_cast %broadcast_in_dim3A_348 : vector<16x1xi32> to vector<16xi32>
        %gather3A_350 = tpu.dynamic_gather %masked_cumsum3A_340[%gather3A_349] in [0] : vector<16xf32>, vector<16xi32> -> vector<16xf32>
        %jit3A_351 = arith.constant 0.000000e+00 : f32
        %broadcast_in_dim3A_352 = vector.broadcast %jit3A_351 : f32 to vector<16xf32>
        %select_n3A_353 = arith.select %ge3A_198, %gather3A_350, %broadcast_in_dim3A_352 : vector<16xi1>, vector<16xf32>
        %sub3A_354 = arith.subf %masked_cumsum3A_340, %select_n3A_353 : vector<16xf32>
        tpu.vector_store_idx %arg10[%add3A_337], %sub3A_354 masked %or3A {add = true} : memref<81920xf32, #tpu.memory_space<vmem>>[vector<16xi32>], vector<16xf32>, vector<16xi1>
        %add3A_355 = arith.constant 24576 : i32
        %add3A_356 = vector.broadcast %add3A_355 : i32 to vector<16xi32>
        %add3A_357 = arith.addi %gather3A, %add3A_356 : vector<16xi32>
        %broadcast_in_dim3A_358 = arith.constant true
        %broadcast_in_dim3A_359 = vector.broadcast %broadcast_in_dim3A_358 : i1 to vector<16xi1>
        %masked_cumsum3A_360 = tpu.scan <sum>, %mul3A_296 masked %broadcast_in_dim3A_359 : vector<16xf32>, vector<16xi1> -> vector<16xf32>
        %lt3A_361 = arith.constant 0 : i32
        %lt3A_362 = vector.broadcast %lt3A_361 : i32 to vector<16xi32>
        %lt3A_363 = arith.cmpi slt, %max3A_201, %lt3A_362 : vector<16xi32>
        %add3A_364 = arith.constant 16 : i32
        %add3A_365 = vector.broadcast %add3A_364 : i32 to vector<16xi32>
        %add3A_366 = arith.addi %max3A_201, %add3A_365 : vector<16xi32>
        %select_n3A_367 = arith.select %lt3A_363, %add3A_366, %max3A_201 : vector<16xi1>, vector<16xi32>
        %broadcast_in_dim3A_368 = vector.shape_cast %select_n3A_367 : vector<16xi32> to vector<16x1xi32>
        %gather3A_369 = vector.shape_cast %broadcast_in_dim3A_368 : vector<16x1xi32> to vector<16xi32>
        %gather3A_370 = tpu.dynamic_gather %masked_cumsum3A_360[%gather3A_369] in [0] : vector<16xf32>, vector<16xi32> -> vector<16xf32>
        %jit3A_371 = arith.constant 0.000000e+00 : f32
        %broadcast_in_dim3A_372 = vector.broadcast %jit3A_371 : f32 to vector<16xf32>
        %select_n3A_373 = arith.select %ge3A_198, %gather3A_370, %broadcast_in_dim3A_372 : vector<16xi1>, vector<16xf32>
        %sub3A_374 = arith.subf %masked_cumsum3A_360, %select_n3A_373 : vector<16xf32>
        tpu.vector_store_idx %arg10[%add3A_357], %sub3A_374 masked %or3A {add = true} : memref<81920xf32, #tpu.memory_space<vmem>>[vector<16xi32>], vector<16xf32>, vector<16xi1>
        %add3A_375 = arith.constant 32768 : i32
        %add3A_376 = vector.broadcast %add3A_375 : i32 to vector<16xi32>
        %add3A_377 = arith.addi %gather3A, %add3A_376 : vector<16xi32>
        %broadcast_in_dim3A_378 = arith.constant true
        %broadcast_in_dim3A_379 = vector.broadcast %broadcast_in_dim3A_378 : i1 to vector<16xi1>
        %masked_cumsum3A_380 = tpu.scan <sum>, %mul3A_298 masked %broadcast_in_dim3A_379 : vector<16xf32>, vector<16xi1> -> vector<16xf32>
        %lt3A_381 = arith.constant 0 : i32
        %lt3A_382 = vector.broadcast %lt3A_381 : i32 to vector<16xi32>
        %lt3A_383 = arith.cmpi slt, %max3A_201, %lt3A_382 : vector<16xi32>
        %add3A_384 = arith.constant 16 : i32
        %add3A_385 = vector.broadcast %add3A_384 : i32 to vector<16xi32>
        %add3A_386 = arith.addi %max3A_201, %add3A_385 : vector<16xi32>
        %select_n3A_387 = arith.select %lt3A_383, %add3A_386, %max3A_201 : vector<16xi1>, vector<16xi32>
        %broadcast_in_dim3A_388 = vector.shape_cast %select_n3A_387 : vector<16xi32> to vector<16x1xi32>
        %gather3A_389 = vector.shape_cast %broadcast_in_dim3A_388 : vector<16x1xi32> to vector<16xi32>
        %gather3A_390 = tpu.dynamic_gather %masked_cumsum3A_380[%gather3A_389] in [0] : vector<16xf32>, vector<16xi32> -> vector<16xf32>
        %jit3A_391 = arith.constant 0.000000e+00 : f32
        %broadcast_in_dim3A_392 = vector.broadcast %jit3A_391 : f32 to vector<16xf32>
        %select_n3A_393 = arith.select %ge3A_198, %gather3A_390, %broadcast_in_dim3A_392 : vector<16xi1>, vector<16xf32>
        %sub3A_394 = arith.subf %masked_cumsum3A_380, %select_n3A_393 : vector<16xf32>
        tpu.vector_store_idx %arg10[%add3A_377], %sub3A_394 masked %or3A {add = true} : memref<81920xf32, #tpu.memory_space<vmem>>[vector<16xi32>], vector<16xf32>, vector<16xi1>
        %add3A_395 = arith.constant 40960 : i32
        %add3A_396 = vector.broadcast %add3A_395 : i32 to vector<16xi32>
        %add3A_397 = arith.addi %gather3A, %add3A_396 : vector<16xi32>
        %mul3A_398 = arith.mulf %mul3A_290, %mul3A_290 : vector<16xf32>
        %broadcast_in_dim3A_399 = arith.constant true
        %broadcast_in_dim3A_400 = vector.broadcast %broadcast_in_dim3A_399 : i1 to vector<16xi1>
        %masked_cumsum3A_401 = tpu.scan <sum>, %mul3A_398 masked %broadcast_in_dim3A_400 : vector<16xf32>, vector<16xi1> -> vector<16xf32>
        %lt3A_402 = arith.constant 0 : i32
        %lt3A_403 = vector.broadcast %lt3A_402 : i32 to vector<16xi32>
        %lt3A_404 = arith.cmpi slt, %max3A_201, %lt3A_403 : vector<16xi32>
        %add3A_405 = arith.constant 16 : i32
        %add3A_406 = vector.broadcast %add3A_405 : i32 to vector<16xi32>
        %add3A_407 = arith.addi %max3A_201, %add3A_406 : vector<16xi32>
        %select_n3A_408 = arith.select %lt3A_404, %add3A_407, %max3A_201 : vector<16xi1>, vector<16xi32>
        %broadcast_in_dim3A_409 = vector.shape_cast %select_n3A_408 : vector<16xi32> to vector<16x1xi32>
        %gather3A_410 = vector.shape_cast %broadcast_in_dim3A_409 : vector<16x1xi32> to vector<16xi32>
        %gather3A_411 = tpu.dynamic_gather %masked_cumsum3A_401[%gather3A_410] in [0] : vector<16xf32>, vector<16xi32> -> vector<16xf32>
        %jit3A_412 = arith.constant 0.000000e+00 : f32
        %broadcast_in_dim3A_413 = vector.broadcast %jit3A_412 : f32 to vector<16xf32>
        %select_n3A_414 = arith.select %ge3A_198, %gather3A_411, %broadcast_in_dim3A_413 : vector<16xi1>, vector<16xf32>
        %sub3A_415 = arith.subf %masked_cumsum3A_401, %select_n3A_414 : vector<16xf32>
        tpu.vector_store_idx %arg10[%add3A_397], %sub3A_415 masked %or3A {add = true} : memref<81920xf32, #tpu.memory_space<vmem>>[vector<16xi32>], vector<16xf32>, vector<16xi1>
        %add3A_416 = arith.constant 49152 : i32
        %add3A_417 = vector.broadcast %add3A_416 : i32 to vector<16xi32>
        %add3A_418 = arith.addi %gather3A, %add3A_417 : vector<16xi32>
        %mul3A_419 = arith.mulf %mul3A_292, %mul3A_292 : vector<16xf32>
        %broadcast_in_dim3A_420 = arith.constant true
        %broadcast_in_dim3A_421 = vector.broadcast %broadcast_in_dim3A_420 : i1 to vector<16xi1>
        %masked_cumsum3A_422 = tpu.scan <sum>, %mul3A_419 masked %broadcast_in_dim3A_421 : vector<16xf32>, vector<16xi1> -> vector<16xf32>
        %lt3A_423 = arith.constant 0 : i32
        %lt3A_424 = vector.broadcast %lt3A_423 : i32 to vector<16xi32>
        %lt3A_425 = arith.cmpi slt, %max3A_201, %lt3A_424 : vector<16xi32>
        %add3A_426 = arith.constant 16 : i32
        %add3A_427 = vector.broadcast %add3A_426 : i32 to vector<16xi32>
        %add3A_428 = arith.addi %max3A_201, %add3A_427 : vector<16xi32>
        %select_n3A_429 = arith.select %lt3A_425, %add3A_428, %max3A_201 : vector<16xi1>, vector<16xi32>
        %broadcast_in_dim3A_430 = vector.shape_cast %select_n3A_429 : vector<16xi32> to vector<16x1xi32>
        %gather3A_431 = vector.shape_cast %broadcast_in_dim3A_430 : vector<16x1xi32> to vector<16xi32>
        %gather3A_432 = tpu.dynamic_gather %masked_cumsum3A_422[%gather3A_431] in [0] : vector<16xf32>, vector<16xi32> -> vector<16xf32>
        %jit3A_433 = arith.constant 0.000000e+00 : f32
        %broadcast_in_dim3A_434 = vector.broadcast %jit3A_433 : f32 to vector<16xf32>
        %select_n3A_435 = arith.select %ge3A_198, %gather3A_432, %broadcast_in_dim3A_434 : vector<16xi1>, vector<16xf32>
        %sub3A_436 = arith.subf %masked_cumsum3A_422, %select_n3A_435 : vector<16xf32>
        tpu.vector_store_idx %arg10[%add3A_418], %sub3A_436 masked %or3A {add = true} : memref<81920xf32, #tpu.memory_space<vmem>>[vector<16xi32>], vector<16xf32>, vector<16xi1>
        %add3A_437 = arith.constant 57344 : i32
        %add3A_438 = vector.broadcast %add3A_437 : i32 to vector<16xi32>
        %add3A_439 = arith.addi %gather3A, %add3A_438 : vector<16xi32>
        %mul3A_440 = arith.mulf %mul3A_294, %mul3A_294 : vector<16xf32>
        %broadcast_in_dim3A_441 = arith.constant true
        %broadcast_in_dim3A_442 = vector.broadcast %broadcast_in_dim3A_441 : i1 to vector<16xi1>
        %masked_cumsum3A_443 = tpu.scan <sum>, %mul3A_440 masked %broadcast_in_dim3A_442 : vector<16xf32>, vector<16xi1> -> vector<16xf32>
        %lt3A_444 = arith.constant 0 : i32
        %lt3A_445 = vector.broadcast %lt3A_444 : i32 to vector<16xi32>
        %lt3A_446 = arith.cmpi slt, %max3A_201, %lt3A_445 : vector<16xi32>
        %add3A_447 = arith.constant 16 : i32
        %add3A_448 = vector.broadcast %add3A_447 : i32 to vector<16xi32>
        %add3A_449 = arith.addi %max3A_201, %add3A_448 : vector<16xi32>
        %select_n3A_450 = arith.select %lt3A_446, %add3A_449, %max3A_201 : vector<16xi1>, vector<16xi32>
        %broadcast_in_dim3A_451 = vector.shape_cast %select_n3A_450 : vector<16xi32> to vector<16x1xi32>
        %gather3A_452 = vector.shape_cast %broadcast_in_dim3A_451 : vector<16x1xi32> to vector<16xi32>
        %gather3A_453 = tpu.dynamic_gather %masked_cumsum3A_443[%gather3A_452] in [0] : vector<16xf32>, vector<16xi32> -> vector<16xf32>
        %jit3A_454 = arith.constant 0.000000e+00 : f32
        %broadcast_in_dim3A_455 = vector.broadcast %jit3A_454 : f32 to vector<16xf32>
        %select_n3A_456 = arith.select %ge3A_198, %gather3A_453, %broadcast_in_dim3A_455 : vector<16xi1>, vector<16xf32>
        %sub3A_457 = arith.subf %masked_cumsum3A_443, %select_n3A_456 : vector<16xf32>
        tpu.vector_store_idx %arg10[%add3A_439], %sub3A_457 masked %or3A {add = true} : memref<81920xf32, #tpu.memory_space<vmem>>[vector<16xi32>], vector<16xf32>, vector<16xi1>
        %add3A_458 = arith.constant 65536 : i32
        %add3A_459 = vector.broadcast %add3A_458 : i32 to vector<16xi32>
        %add3A_460 = arith.addi %gather3A, %add3A_459 : vector<16xi32>
        %mul3A_461 = arith.mulf %mul3A_296, %mul3A_296 : vector<16xf32>
        %broadcast_in_dim3A_462 = arith.constant true
        %broadcast_in_dim3A_463 = vector.broadcast %broadcast_in_dim3A_462 : i1 to vector<16xi1>
        %masked_cumsum3A_464 = tpu.scan <sum>, %mul3A_461 masked %broadcast_in_dim3A_463 : vector<16xf32>, vector<16xi1> -> vector<16xf32>
        %lt3A_465 = arith.constant 0 : i32
        %lt3A_466 = vector.broadcast %lt3A_465 : i32 to vector<16xi32>
        %lt3A_467 = arith.cmpi slt, %max3A_201, %lt3A_466 : vector<16xi32>
        %add3A_468 = arith.constant 16 : i32
        %add3A_469 = vector.broadcast %add3A_468 : i32 to vector<16xi32>
        %add3A_470 = arith.addi %max3A_201, %add3A_469 : vector<16xi32>
        %select_n3A_471 = arith.select %lt3A_467, %add3A_470, %max3A_201 : vector<16xi1>, vector<16xi32>
        %broadcast_in_dim3A_472 = vector.shape_cast %select_n3A_471 : vector<16xi32> to vector<16x1xi32>
        %gather3A_473 = vector.shape_cast %broadcast_in_dim3A_472 : vector<16x1xi32> to vector<16xi32>
        %gather3A_474 = tpu.dynamic_gather %masked_cumsum3A_464[%gather3A_473] in [0] : vector<16xf32>, vector<16xi32> -> vector<16xf32>
        %jit3A_475 = arith.constant 0.000000e+00 : f32
        %broadcast_in_dim3A_476 = vector.broadcast %jit3A_475 : f32 to vector<16xf32>
        %select_n3A_477 = arith.select %ge3A_198, %gather3A_474, %broadcast_in_dim3A_476 : vector<16xi1>, vector<16xf32>
        %sub3A_478 = arith.subf %masked_cumsum3A_464, %select_n3A_477 : vector<16xf32>
        tpu.vector_store_idx %arg10[%add3A_460], %sub3A_478 masked %or3A {add = true} : memref<81920xf32, #tpu.memory_space<vmem>>[vector<16xi32>], vector<16xf32>, vector<16xi1>
        %add3A_479 = arith.constant 73728 : i32
        %add3A_480 = vector.broadcast %add3A_479 : i32 to vector<16xi32>
        %add3A_481 = arith.addi %gather3A, %add3A_480 : vector<16xi32>
        %mul3A_482 = arith.mulf %mul3A_298, %mul3A_298 : vector<16xf32>
        %broadcast_in_dim3A_483 = arith.constant true
        %broadcast_in_dim3A_484 = vector.broadcast %broadcast_in_dim3A_483 : i1 to vector<16xi1>
        %masked_cumsum3A_485 = tpu.scan <sum>, %mul3A_482 masked %broadcast_in_dim3A_484 : vector<16xf32>, vector<16xi1> -> vector<16xf32>
        %lt3A_486 = arith.constant 0 : i32
        %lt3A_487 = vector.broadcast %lt3A_486 : i32 to vector<16xi32>
        %lt3A_488 = arith.cmpi slt, %max3A_201, %lt3A_487 : vector<16xi32>
        %add3A_489 = arith.constant 16 : i32
        %add3A_490 = vector.broadcast %add3A_489 : i32 to vector<16xi32>
        %add3A_491 = arith.addi %max3A_201, %add3A_490 : vector<16xi32>
        %select_n3A_492 = arith.select %lt3A_488, %add3A_491, %max3A_201 : vector<16xi1>, vector<16xi32>
        %broadcast_in_dim3A_493 = vector.shape_cast %select_n3A_492 : vector<16xi32> to vector<16x1xi32>
        %gather3A_494 = vector.shape_cast %broadcast_in_dim3A_493 : vector<16x1xi32> to vector<16xi32>
        %gather3A_495 = tpu.dynamic_gather %masked_cumsum3A_485[%gather3A_494] in [0] : vector<16xf32>, vector<16xi32> -> vector<16xf32>
        %jit3A_496 = arith.constant 0.000000e+00 : f32
        %broadcast_in_dim3A_497 = vector.broadcast %jit3A_496 : f32 to vector<16xf32>
        %select_n3A_498 = arith.select %ge3A_198, %gather3A_495, %broadcast_in_dim3A_497 : vector<16xi1>, vector<16xf32>
        %sub3A_499 = arith.subf %masked_cumsum3A_485, %select_n3A_498 : vector<16xf32>
        tpu.vector_store_idx %arg10[%add3A_481], %sub3A_499 masked %or3A {add = true} : memref<81920xf32, #tpu.memory_space<vmem>>[vector<16xi32>], vector<16xf32>, vector<16xi1>
        scf.yield %add3A_283 : vector<16xf32>
      }
      %scan3A_131 = arith.constant 160 : i32
      scf.yield %scan3A_130 : vector<16xf32>
    }
    %scan3A_51 = arith.constant 20 : i32
    %swap3A = arith.constant 0 : index
    %swap3A_52 = tpu.vector_load %arg11[%swap3A] {strides = array<i32>} : memref<16xf32, #tpu.memory_space<vmem>>, vector<16xf32>,
    tpu.vector_store %arg11[%swap3A], %scan3A_50 {strides = array<i32>} : memref<16xf32, #tpu.memory_space<vmem>>, vector<16xf32>,
    "tpu.region"() ({
      %run_scoped3A = tpu.sem_alloc : memref<!tpu.dma_semaphore, #tpu.memory_space<semaphore_mem>>
      %dma_start3A_53 = arith.constant 0 : i32
      %dma_start3A_54 = tpu.memref_slice %arg4[%add3A, %dma_start3A_53] : memref<32x81920xf32, #tpu.memory_space<hbm>> -> memref<1x81920xf32, #tpu.memory_space<hbm>>
      %dma_start3A_55 = tpu.memref_squeeze %dma_start3A_54 : memref<1x81920xf32, #tpu.memory_space<hbm>> -> memref<81920xf32, #tpu.memory_space<hbm>>
      %dma_start3A_56 = arith.constant 0 : i32
      %dma_start3A_57 = tpu.memref_slice %arg4[%add3A, %dma_start3A_56] : memref<32x81920xf32, #tpu.memory_space<hbm>> -> memref<1x81920xf32, #tpu.memory_space<hbm>>
      %dma_start3A_58 = tpu.memref_squeeze %dma_start3A_57 : memref<1x81920xf32, #tpu.memory_space<hbm>> -> memref<81920xf32, #tpu.memory_space<hbm>>
      tpu.enqueue_dma source(%arg10 : memref<81920xf32, #tpu.memory_space<vmem>>) target(%dma_start3A_58 : memref<81920xf32, #tpu.memory_space<hbm>>) target_semaphore(%run_scoped3A : memref<!tpu.dma_semaphore, #tpu.memory_space<semaphore_mem>>)
      %dma_wait3A = arith.constant 0 : i32
      %dma_wait3A_59 = tpu.memref_slice %arg4[%add3A, %dma_wait3A] : memref<32x81920xf32, #tpu.memory_space<hbm>> -> memref<1x81920xf32, #tpu.memory_space<hbm>>
      %dma_wait3A_60 = tpu.memref_squeeze %dma_wait3A_59 : memref<1x81920xf32, #tpu.memory_space<hbm>> -> memref<81920xf32, #tpu.memory_space<hbm>>
      %dma_wait3A_61 = arith.constant 0 : i32
      %dma_wait3A_62 = tpu.memref_slice %arg4[%add3A, %dma_wait3A_61] : memref<32x81920xf32, #tpu.memory_space<hbm>> -> memref<1x81920xf32, #tpu.memory_space<hbm>>
      %dma_wait3A_63 = tpu.memref_squeeze %dma_wait3A_62 : memref<1x81920xf32, #tpu.memory_space<hbm>> -> memref<81920xf32, #tpu.memory_space<hbm>>
      tpu.wait_dma2 semaphore(%run_scoped3A : memref<!tpu.dma_semaphore, #tpu.memory_space<semaphore_mem>>) src(%arg10 : memref<81920xf32, #tpu.memory_space<vmem>>) dst(%dma_wait3A_63 : memref<81920xf32, #tpu.memory_space<hbm>>)
      tpu.yield
    }) : () -> ()
    "tpu.region"() ({
      %run_scoped3A = tpu.sem_alloc : memref<!tpu.dma_semaphore, #tpu.memory_space<semaphore_mem>>
      %dma_start3A_53 = arith.constant 0 : i32
      %dma_start3A_54 = tpu.memref_slice %arg5[%add3A, %dma_start3A_53] : memref<32x16xf32, #tpu.memory_space<hbm>> -> memref<1x16xf32, #tpu.memory_space<hbm>>
      %dma_start3A_55 = tpu.memref_squeeze %dma_start3A_54 : memref<1x16xf32, #tpu.memory_space<hbm>> -> memref<16xf32, #tpu.memory_space<hbm>>
      %dma_start3A_56 = arith.constant 0 : i32
      %dma_start3A_57 = tpu.memref_slice %arg5[%add3A, %dma_start3A_56] : memref<32x16xf32, #tpu.memory_space<hbm>> -> memref<1x16xf32, #tpu.memory_space<hbm>>
      %dma_start3A_58 = tpu.memref_squeeze %dma_start3A_57 : memref<1x16xf32, #tpu.memory_space<hbm>> -> memref<16xf32, #tpu.memory_space<hbm>>
      tpu.enqueue_dma source(%arg11 : memref<16xf32, #tpu.memory_space<vmem>>) target(%dma_start3A_58 : memref<16xf32, #tpu.memory_space<hbm>>) target_semaphore(%run_scoped3A : memref<!tpu.dma_semaphore, #tpu.memory_space<semaphore_mem>>)
      %dma_wait3A = arith.constant 0 : i32
      %dma_wait3A_59 = tpu.memref_slice %arg5[%add3A, %dma_wait3A] : memref<32x16xf32, #tpu.memory_space<hbm>> -> memref<1x16xf32, #tpu.memory_space<hbm>>
      %dma_wait3A_60 = tpu.memref_squeeze %dma_wait3A_59 : memref<1x16xf32, #tpu.memory_space<hbm>> -> memref<16xf32, #tpu.memory_space<hbm>>
      %dma_wait3A_61 = arith.constant 0 : i32
      %dma_wait3A_62 = tpu.memref_slice %arg5[%add3A, %dma_wait3A_61] : memref<32x16xf32, #tpu.memory_space<hbm>> -> memref<1x16xf32, #tpu.memory_space<hbm>>
      %dma_wait3A_63 = tpu.memref_squeeze %dma_wait3A_62 : memref<1x16xf32, #tpu.memory_space<hbm>> -> memref<16xf32, #tpu.memory_space<hbm>>
      tpu.wait_dma2 semaphore(%run_scoped3A : memref<!tpu.dma_semaphore, #tpu.memory_space<semaphore_mem>>) src(%arg11 : memref<16xf32, #tpu.memory_space<vmem>>) dst(%dma_wait3A_63 : memref<16xf32, #tpu.memory_space<hbm>>)
      tpu.yield
    }) : () -> ()
    return
  }
}

module attributes {stable_mosaic.version = 14 : i64} {
  func.func @_fin_body(%arg0: memref<32x10x8192xf32, #tpu.memory_space<vmem>>, %arg1: memref<32x16xf32, #tpu.memory_space<vmem>>, %arg2: memref<1x1xf32, #tpu.memory_space<smem>>) attributes {dimension_semantics = [], scalar_prefetch = 0 : i64, scratch_operands = 0 : i64, tpu.core_type = #tpu.core_type<tc>} {
    %get3A = arith.constant 0 : index
    %get3A_0 = arith.constant 0 : index
    %get3A_1 = arith.constant 0 : index
    %get3A_2 = vector.load %arg0[%get3A, %get3A_0, %get3A_1] : memref<32x10x8192xf32, #tpu.memory_space<vmem>>, vector<32x10x8192xf32>
    %reduce_sum3A = arith.constant dense<0.000000e+00> : vector<10x8192xf32>
    %reduce_sum3A_3 = vector.multi_reduction <add>, %get3A_2, %reduce_sum3A [0] : vector<32x10x8192xf32> to vector<10x8192xf32>
    %slice3A = vector.extract_strided_slice %reduce_sum3A_3 {offsets = [0, 0], sizes = [5, 8192], strides = [1, 1]} : vector<10x8192xf32> to vector<5x8192xf32>
    %slice3A_4 = vector.extract_strided_slice %reduce_sum3A_3 {offsets = [5, 0], sizes = [5, 8192], strides = [1, 1]} : vector<10x8192xf32> to vector<5x8192xf32>
    %reduce_sum3A_5 = arith.constant dense<0.000000e+00> : vector<8192xf32>
    %reduce_sum3A_6 = vector.multi_reduction <add>, %slice3A, %reduce_sum3A_5 [0] : vector<5x8192xf32> to vector<8192xf32>
    %broadcast_in_dim3A = vector.shape_cast %reduce_sum3A_6 : vector<8192xf32> to vector<1x8192xf32>
    %max3A = arith.constant 1.000000e+00 : f32
    %max3A_7 = vector.broadcast %max3A : f32 to vector<1x8192xf32>
    %max3A_8 = arith.maximumf %broadcast_in_dim3A, %max3A_7 : vector<1x8192xf32>
    %div3A = vector.broadcast %max3A_8 : vector<1x8192xf32> to vector<5x8192xf32>
    %div3A_9 = arith.divf %slice3A, %div3A : vector<5x8192xf32>
    %sub3A = arith.constant 1.000000e+00 : f32
    %sub3A_10 = vector.broadcast %sub3A : f32 to vector<1x8192xf32>
    %sub3A_11 = arith.subf %broadcast_in_dim3A, %sub3A_10 : vector<1x8192xf32>
    %max3A_12 = arith.constant 1.000000e+00 : f32
    %max3A_13 = vector.broadcast %max3A_12 : f32 to vector<1x8192xf32>
    %max3A_14 = arith.maximumf %sub3A_11, %max3A_13 : vector<1x8192xf32>
    %mul3A = vector.broadcast %broadcast_in_dim3A : vector<1x8192xf32> to vector<5x8192xf32>
    %mul3A_15 = arith.mulf %mul3A, %div3A_9 : vector<5x8192xf32>
    %mul3A_16 = arith.mulf %mul3A_15, %div3A_9 : vector<5x8192xf32>
    %sub3A_17 = arith.subf %slice3A_4, %mul3A_16 : vector<5x8192xf32>
    %div3A_18 = vector.broadcast %max3A_14 : vector<1x8192xf32> to vector<5x8192xf32>
    %div3A_19 = arith.divf %sub3A_17, %div3A_18 : vector<5x8192xf32>
    %reduce_sum3A_20 = arith.constant dense<0.000000e+00> : vector<8192xf32>
    %reduce_sum3A_21 = vector.multi_reduction <add>, %div3A_19, %reduce_sum3A_20 [0] : vector<5x8192xf32> to vector<8192xf32>
    %broadcast_in_dim3A_22 = vector.shape_cast %reduce_sum3A_21 : vector<8192xf32> to vector<1x8192xf32>
    %mul3A_23 = arith.constant 2.000000e-01 : f32
    %mul3A_24 = vector.broadcast %mul3A_23 : f32 to vector<1x8192xf32>
    %mul3A_25 = arith.mulf %broadcast_in_dim3A_22, %mul3A_24 : vector<1x8192xf32>
    %ge3A = arith.constant 2.000000e+00 : f32
    %ge3A_26 = vector.broadcast %ge3A : f32 to vector<1x8192xf32>
    %ge3A_27 = arith.cmpf oge, %broadcast_in_dim3A, %ge3A_26 : vector<1x8192xf32>
    %jit3A = arith.constant 0.000000e+00 : f32
    %broadcast_in_dim3A_28 = vector.broadcast %jit3A : f32 to vector<1x8192xf32>
    %select_n3A = arith.select %ge3A_27, %mul3A_25, %broadcast_in_dim3A_28 : vector<1x8192xi1>, vector<1x8192xf32>
    %reduce_sum3A_29 = vector.shape_cast %select_n3A : vector<1x8192xf32> to vector<1x1x8192xf32>
    %reduce_sum3A_30 = arith.constant dense<0.000000e+00> : vector<1xf32>
    %reduce_sum3A_31 = vector.multi_reduction <add>, %reduce_sum3A_29, %reduce_sum3A_30 [1, 2] : vector<1x1x8192xf32> to vector<1xf32>
    %reduce_sum3A_32 = vector.shape_cast %reduce_sum3A_31 : vector<1xf32> to vector<1x1x1xf32>
    %reduce_sum3A_33 = vector.extract %reduce_sum3A_32[0, 0, 0] : f32 from vector<1x1x1xf32>
    %gt3A = arith.constant 0.000000e+00 : f32
    %gt3A_34 = vector.broadcast %gt3A : f32 to vector<1x8192xf32>
    %gt3A_35 = arith.cmpf ogt, %broadcast_in_dim3A, %gt3A_34 : vector<1x8192xf32>
    %convert_element_type3A = arith.extui %gt3A_35 : vector<1x8192xi1> to vector<1x8192xi32>
    %convert_element_type3A_36 = arith.sitofp %convert_element_type3A : vector<1x8192xi32> to vector<1x8192xf32>
    %reduce_sum3A_37 = vector.shape_cast %convert_element_type3A_36 : vector<1x8192xf32> to vector<1x1x8192xf32>
    %reduce_sum3A_38 = arith.constant dense<0.000000e+00> : vector<1xf32>
    %reduce_sum3A_39 = vector.multi_reduction <add>, %reduce_sum3A_37, %reduce_sum3A_38 [1, 2] : vector<1x1x8192xf32> to vector<1xf32>
    %reduce_sum3A_40 = vector.shape_cast %reduce_sum3A_39 : vector<1xf32> to vector<1x1x1xf32>
    %reduce_sum3A_41 = vector.extract %reduce_sum3A_40[0, 0, 0] : f32 from vector<1x1x1xf32>
    %max3A_42 = arith.constant 1.000000e+00 : f32
    %max3A_43 = arith.maximumf %reduce_sum3A_41, %max3A_42 : f32
    %get3A_44 = arith.constant 0 : index
    %get3A_45 = arith.constant 0 : index
    %get3A_46 = vector.load %arg1[%get3A_44, %get3A_45] : memref<32x16xf32, #tpu.memory_space<vmem>>, vector<32x16xf32>
    %reduce_sum3A_47 = vector.shape_cast %get3A_46 : vector<32x16xf32> to vector<1x32x16xf32>
    %reduce_sum3A_48 = arith.constant dense<0.000000e+00> : vector<1xf32>
    %reduce_sum3A_49 = vector.multi_reduction <add>, %reduce_sum3A_47, %reduce_sum3A_48 [1, 2] : vector<1x32x16xf32> to vector<1xf32>
    %reduce_sum3A_50 = vector.shape_cast %reduce_sum3A_49 : vector<1xf32> to vector<1x1x1xf32>
    %reduce_sum3A_51 = vector.extract %reduce_sum3A_50[0, 0, 0] : f32 from vector<1x1x1xf32>
    %mul3A_52 = arith.constant 3.125000e-07 : f32
    %mul3A_53 = arith.mulf %reduce_sum3A_51, %mul3A_52 : f32
    %div3A_54 = arith.divf %reduce_sum3A_33, %max3A_43 : f32
    %mul3A_55 = arith.constant 8.000000e-01 : f32
    %mul3A_56 = arith.mulf %mul3A_55, %div3A_54 : f32
    %mul3A_57 = arith.constant 2.000000e-01 : f32
    %mul3A_58 = arith.mulf %mul3A_57, %mul3A_53 : f32
    %add3A = arith.addf %mul3A_56, %mul3A_58 : f32
    %swap3A = arith.constant 0 : index
    %swap3A_59 = arith.constant 0 : index
    %swap3A_60 = memref.load %arg2[%swap3A, %swap3A_59] : memref<1x1xf32, #tpu.memory_space<smem>>
    memref.store %add3A, %arg2[%swap3A, %swap3A_59] : memref<1x1xf32, #tpu.memory_space<smem>>
    return
  }
}

</mosaic_0001>

<sc_bundles>
// kernel: kernel.4.cloned.1.call-start
scs
__scs_entry_jumppad:
0x0: {  	(pc) =	sbr.rel $0x88, $3  }
0x1: {  	(tag) =	ssettag $0x0;
	lr =	simm.s32 $0x1  }
0x2: {  	[smem:$0x3F9F] =	sst lr;
	_ =	strace $0xD0000000  }
0x3: {  	_ = 	snop  }
0x4: {  	_ = 	snop  }
0x5: {  	_ = 	snop  }
0x6: {  	_ = 	snop  }
0x7: {  	_ = 	snop  }
__scs_overlays_trampoline_lowered:
0x8: {  	[smem:$0x3FAE] =	sst s0  }
0x9: {  	[smem:$0x3FAF] =	sst s1  }
0xa: {  	[smem:$0x3FB0] =	sst s2  }
0xb: {  	[smem:$0x3FB1] =	sst s3  }
0xc: {  	[smem:$0x3FB2] =	sst s4  }
0xd: {  	[smem:$0x3FB3] =	sst s5  }
0xe: {  	[smem:$0x3FB4] =	sst s6  }
0xf: {  	[smem:$0x3FB5] =	sst s7  }
0x10: {  	[smem:$0x3FB6] =	sst s8  }
0x11: {  	[smem:$0x3FB7] =	sst s9;
	s0 =	simm.s32 @!p0 $0x0  }
0x12: {  	s1 =	sld [smem:$0x3F9D];
	s0 =	simm.s32 @p0 $0x1  }
0x13: {  	[smem:$0x3FB8] =	sst s0;
	s0 =	simm.s32 @!p1 $0x0  }
0x14: {  	s2 =	sld [smem:$0x3F9C];
	s0 =	simm.s32 @p1 $0x1  }
0x15: {  	[smem:$0x3FB9] =	sst s0;
	s0 =	simm.s32 @!p2 $0x0  }
0x16: {  	s3 =	sld [smem:$0x3FDB];
	s0 =	simm.s32 @p2 $0x1  }
0x17: {  	s4 =	simm.s32 $0x1BF5;
	[smem:$0x3FBB] =	sst s0  }
0x18: {  	s0 =	sld [smem:$0x3F9E];
	_ =	swait.ge [sflag:s4], $0x0  }
0x19: {  	s7 =	sld [smem:$0x3F9F]  }
0x1a: {  	s8 =	sadd.s32 $0xFFFFE003, lr  }
0x1b: {  	s9 =	sadd.s32 $0xFFFFFEF7, lr;
	s5 =	simm.s32 $0xFFFFFFFF;
	p2 =	slt.u32 s8, $0xFFFFF086  }
0x1c: {  	p1 =	slt.u32 s9, $0xF7A;
	s5 =	simm.s32 @!p2 $0x0  }
0x1d: {  	s5 =	simm.s32 @p1 $0x1;
	p0 =	seq.s32 s7, s2  }
0x1e: {  	s7 =	smul.u32 @!p0 $0xF7A, s2;
	p2 =	seq.s32 @!p0 s5, $0x0  }
0x1f: {  	s9 =	smul.u32 $0xF7A, s1;
	s8 =	simm.s32 @!p0 $0x1BF5;
	p2 =	por !p2, p0  }
0x20: {  	[sflag:s8] =	ssyncset.s32 @!p0 $0xFFFFF086;
	s6 =	sadd.s32 @!p0 s3, s7;
	s7 =	simm.s32 @!p0 $0x108  }
0x21: {  	s3 =	sadd.s32 s3, s9;
	s6 =	sadd.s32 @!p0 $0x88, s6;
	s7 =	simm.s32 @p2 $0x1082  }
0x22: {  	[simem:s7], [sflag:s8] =	dma.local @!p0 [hbm:s6], $0xF7A  }
0x23: {  	s9 =	sor.u32 $0xD0000000, s2;
	s6 =	simm.s32 $0x108;
	_ =	swait.ge @!p0 [sflag:s8], $0x0  }
0x24: {  	s3 =	sadd.s32 $0x88, s3;
	s6 =	simm.s32 @!p1 $0x1082;
	[sflag:s4] =	ssyncset.s32 $0xFFFFF086  }
0x25: {  	[simem:s6], [sflag:s4] =	dma.local [hbm:s3], $0xF7A  }
0x26: {  	[smem:$0x3F9F] =	sst s1;
	(tag) =	ssettag s2;
	_ =	strace s9  }
0x27: {  	s1 =	sld [smem:$0x3FAF]  }
0x28: {  	s2 =	sld [smem:$0x3FB0]  }
0x29: {  	s4 =	sld [smem:$0x3FB2]  }
0x2a: {  	p0 =	seq.s32 s5, $0x0;
	s5 =	sld [smem:$0x3FB3]  }
0x2b: {  	s6 =	sld [smem:$0x3FB4]  }
0x2c: {  	s7 =	sld [smem:$0x3FB5]  }
0x2d: {  	s3 =	simm.s32 $0x108;
	s8 =	sld [smem:$0x3FB6]  }
0x2e: {  	s3 =	simm.s32 @!p0 $0x1082;
	s9 =	sld [smem:$0x3FB7]  }
0x2f: {  	lr =	sadd.s32 s0, s3;
	s0 =	sld [smem:$0x3FAE]  }
0x30: {  	s3 =	sld [smem:$0x3FB1]  }
0x31: {  	[smem:$0x3FBA] =	sst s10  }
0x32: {  	s10 =	sld [smem:$0x3FB8];
	_ =	sdelay $0x3  }
0x33: {  	p0 =	seq.s32 s10, $0x1;
	s10 =	sld [smem:$0x3FBA];
	_ =	sdelay $0x3  }
0x34: {  	[smem:$0x3FBA] =	sst s10  }
0x35: {  	s10 =	sld [smem:$0x3FB9];
	_ =	sdelay $0x3  }
0x36: {  	p1 =	seq.s32 s10, $0x1;
	s10 =	sld [smem:$0x3FBA];
	_ =	sdelay $0x3  }
0x37: {  	[smem:$0x3FBA] =	sst s10  }
0x38: {  	s10 =	sld [smem:$0x3FBB]  }
0x39: {  	_ = 	snop;
	(pc) =	sbr.ind lr, $3  }
0x3a: {  	_ = 	snop  }
0x3b: {  	_ = 	snop  }
0x3c: {  	p2 =	seq.s32 s10, $0x1;
	s10 =	sld [smem:$0x3FBA]  }
0x3d: {  	_ =	shalt  }
0x3e: {  	_ =	shalt  }
0x3f: {  	_ =	shalt  }
0x40: {  	_ =	shalt  }
0x41: {  	_ =	shalt  }
0x42: {  	_ =	shalt  }
0x43: {  	_ =	shalt  }
0x44: {  	_ =	shalt  }
0x45: {  	_ =	shalt  }
0x46: {  	_ =	shalt  }
0x47: {  	_ =	shalt  }
0x48: {  	_ =	shalt  }
0x49: {  	_ =	shalt  }
0x4a: {  	_ =	shalt  }
0x4b: {  	_ =	shalt  }
0x4c: {  	_ =	shalt  }
0x4d: {  	_ =	shalt  }
0x4e: {  	_ =	shalt  }
0x4f: {  	_ =	shalt  }
0x50: {  	_ =	shalt  }
0x51: {  	_ =	shalt  }
0x52: {  	_ =	shalt  }
0x53: {  	_ =	shalt  }
0x54: {  	_ =	shalt  }
0x55: {  	_ =	shalt  }
0x56: {  	_ =	shalt  }
0x57: {  	_ =	shalt  }
0x58: {  	_ =	shalt  }
0x59: {  	_ =	shalt  }
0x5a: {  	_ =	shalt  }
0x5b: {  	_ =	shalt  }
0x5c: {  	_ =	shalt  }
0x5d: {  	_ =	shalt  }
0x5e: {  	_ =	shalt  }
0x5f: {  	_ =	shalt  }
0x60: {  	_ =	shalt  }
0x61: {  	_ =	shalt  }
0x62: {  	_ =	shalt  }
0x63: {  	_ =	shalt  }
0x64: {  	_ =	shalt  }
0x65: {  	_ =	shalt  }
0x66: {  	_ =	shalt  }
0x67: {  	_ =	shalt  }
0x68: {  	_ =	shalt  }
0x69: {  	_ =	shalt  }
0x6a: {  	_ =	shalt  }
0x6b: {  	_ =	shalt  }
0x6c: {  	_ =	shalt  }
0x6d: {  	_ =	shalt  }
0x6e: {  	_ =	shalt  }
0x6f: {  	_ =	shalt  }
0x70: {  	_ =	shalt  }
0x71: {  	_ =	shalt  }
0x72: {  	_ =	shalt  }
0x73: {  	_ =	shalt  }
0x74: {  	_ =	shalt  }
0x75: {  	_ =	shalt  }
0x76: {  	_ =	shalt  }
0x77: {  	_ =	shalt  }
0x78: {  	_ =	shalt  }
0x79: {  	_ =	shalt  }
0x7a: {  	_ =	shalt  }
0x7b: {  	_ =	shalt  }
0x7c: {  	_ =	shalt  }
0x7d: {  	_ =	shalt  }
0x7e: {  	_ =	shalt  }
0x7f: {  	_ =	shalt  }
0x80: {  	_ =	shalt  }
0x81: {  	_ =	shalt  }
0x82: {  	_ =	shalt  }
0x83: {  	_ =	shalt  }
0x84: {  	_ =	shalt  }
0x85: {  	_ =	shalt  }
0x86: {  	_ =	shalt  }
0x87: {  	_ =	shalt  }
.Lfunc_end0:
.L_simem_size_0:
called_computation_lowered:
.L_overlay_start_0:
0x88: {  	s2 =	sld [smem:$0x3FD9]  }
0x89: {  	s3 =	sld [smem:$0x3FFE];
	_ =	sdelay $0x1  }
0x8a: {  	s1 =	srdreg.scid  }
0x8b: {  	s0 =	sand.u32 $0x1, s1  }
0x8c: {  	s17 =	sshll.u32 s0, $0xA;
	s2 =	sadd.s32 s3, s2  }
0x8d: {  	s2 =	sadd.s32 s2, s17  }
0x8e: {  	[smem:$0x3FC6] =	sst s2  }
0x8f: {  	_ = 	snop  }
0x90: {  	s2 =	sld [smem:$0x3FC9]  }
0x91: {  	s18 =	sld [smem:$0x3FC8];
	(tm) =	ssettm $0x1  }
0x92: {  	s4 =	sld [smem:$0x3FFB];
	_ =	sdelay $0x3  }
0x93: {  	_ =	strace s4  }
0x94: {  	s4 =	sld [smem:$0x3FFC];
	_ =	sdelay $0x3  }
0x95: {  	_ =	strace s4  }
0x96: {  	s4 =	sld [smem:$0x3FFD];
	_ =	sdelay $0x3  }
0x97: {  	_ =	strace s4  }
0x98: {  	_ =	strace $0x8FFFFFFF  }
0x99: {  	s19 =	sld [smem:$0x3FDB];
	_ =	sdelay $0x1  }
0x9a: {  	s5 =	simm.s32 $_scs_section_size  }
0x9b: {  	s6 =	simm.s32 $_size__tile_overlayer_lowered;
	s7 =	simm.s32 $_tile_overlayer_lowered  }
0x9c: {  	s22 =	simm.s32 $0x1BFF;
	s21 =	sshll.u32 s7, $0x1;
	s4 =	sadd.s32 s5, s19  }
0x9d: {  	s8 =	simm.s32 $0x0;
	s20 =	sshll.u32 s6, $0x1;
	s6 =	sadd.s32 s21, s4  }
0x9e: {  	[timem:s8], [sflag:s22] =	dma.local [hbm:s6], s20  }
0x9f: {  	_ =	swait.ge [sflag:s22], s20  }
0xa0: {  	s5 =	ssub.s32 $0x0, s20;
	[sflag:s22] =	ssyncset.done $0x0  }
0xa1: {  	[sflag:s22] =	ssyncadd.s32 s5;
	_ =	sdelay $0x1  }
0xa2: {  	s23 =	simm.s32 $0x1B8B  }
0xa3: {  	_ =	swait.ge [sflag:s23], $0x1  }
0xa4: {  	[sflag:s23] =	ssyncset.done $0x0  }
0xa5: {  	s25 =	simm.s32 $0x1B8E;
	s24 =	sld [smem:$0x3FFE];
	[sflag:s23] =	ssyncadd.s32 $0xFFFFFFFF  }
0xa6: {  	s26 =	simm.s32 $execute0_lowered;
	[smem:$0x3FD2] =	sst s25  }
0xa7: {  	s6 =	sshll.u32 s26, $0x1;
	_ =	strace $0x80000046;
	[dreg:$0x1] =	wrdreg $0xFFFFFFFF  }
0xa8: {  	s28 =	simm.s32 $_size_execute0_lowered;
	s4 =	sadd.s32 s4, s6;
	[dreg:$0x0] =	wrdreg $0x0  }
0xa9: {  	s6 =	sshll.u32 s28, $0x1;
	[dreg:$0x2] =	wrdreg s4  }
0xaa: {  	[dreg:$0x3] =	wrdreg s6  }
0xab: {  	[dreg:$0x4] =	wrdreg $0xC0  }
0xac: {  	_ =	task [dreg:s8], $0x5FFFF  }
0xad: {  	[dreg:$0x1] =	wrdreg $0xFFFFFFFF  }
0xae: {  	[dreg:$0x0] =	wrdreg $0x60  }
0xaf: {  	[dreg:$0x2] =	wrdreg s2  }
0xb0: {  	[dreg:$0x3] =	wrdreg s18  }
0xb1: {  	[dreg:$0x4] =	wrdreg s24  }
0xb2: {  	[dreg:$0x5] =	wrdreg $0x9  }
0xb3: {  	_ =	task.clear_ibuf [dreg:s8], $0x6FFFF;
	_ =	strace $0x90000046  }
0xb4: {  	s29 =	simm.s32 $0x9;
	_ =	strace $0x80000048  }
0xb5: {  	_ =	swait.ge [sflag:s29], $0x1  }
0xb6: {  	[sflag:s29] =	ssyncadd.s32 $0xFFFFFFFF  }
0xb7: {  	_ =	strace $0x90000048  }
0xb8: {  	_ =	sfence  }
0xb9: {  	s30 =	sld [smem:$0x0];
	_ =	sdelay $0x2  }
0xba: {  	s31 =	sshll.u32 s1, $0xD;
	s1 =	sshrl.u32 s1, $0x2  }
0xbb: {  	s3 =	sand.u32 $0x4000, s31;
	s1 =	sadd.s32 s1, s30  }
0xbc: {  	s0 =	sor.u32 s3, s0;
	s1 =	sshll.u32 s1, $0x11  }
0xbd: {  	s0 =	sor.u32 s1, s0  }
0xbe: {  	s0 =	sadd.s32 $0x8F2B, s0  }
0xbf: {  	[sflag:s0] =	ssyncadd.remote.s32 $0x1  }
0xc0: {  	_ =	sfence.sel $0xFFFF  }
0xc1: {  	[dreg:$0x0] =	wrdreg $0xFFFFFFFF;
	(pc) =	sbr.abs _section_cstart, $3  }
0xc2: {  	[dreg:$0x1] =	wrdreg $0xFFFFFFFF  }
0xc3: {  	_ =	task.clear_ibuf [dreg:s8], $0x2FFFF;
	_ =	strace $0x9FFFFFFF  }
0xc4: {  	(tm) =	ssettm $0x7FFFFFFF  }
0xc5: {  	_ =	shalt  }
tec
execute0_lowered:
.L_overlay_start_1:
0x0: {  	(tag) =	ssettag $0x1  }
0x1: {  	s1 =	rddreg [dreg:$0x0]  }
0x2: {  	s3 =	rddreg [dreg:$0x1];
	s0 =	srdreg.scid  }
0x3: {  	s10 =	stileid.u32;
	s2 =	rddreg [dreg:$0x2]  }
0x4: {  	s14 =	simm.s32 $0xA000;
	s15 =	simm.s32 $0x5000;
	s16 =	simm.s32 $0xAA00  }
0x5: {  	s17 =	simm.s32 $0x1;
	s18 =	simm.s32 $0x3;
	s19 =	simm.s32 $0xB400  }
0x6: {  	s20 =	simm.s32 $0x2;
	s21 =	simm.s32 $0x4;
	s23 =	simm.s32 $0x400  }
0x7: {  	s24 =	simm.s32 $0x5;
	s25 =	simm.s32 $0x1F400;
	s26 =	simm.s32 $0x0  }
0x8: {  	s0 =	sand.u32 $0x1, s0;
	s4 =	sshll.u32 s10, $0x1;
	s6 =	sshrl.u32 s10, $0x2  }
0x9: {  	p0 =	slt.u32 s10, $0x4;
	s10 =	simm.s32 $0x18700;
	s5 =	sor.u32 s0, s4  }
0xa: {  	s4 =	simm.s32 $0x0;
	s7 =	smul.u32 $0xA0000, s6;
	s6 =	sshll.u32 s6, $0xA  }
0xb: {  	v2 =	vimm.s32 $0xFFEDCBA9;
	s10 =	simm.s32 @!p0 $0x18680;
	s0 =	ssub.s32 $0x2, s0;
	s8 =	sshll.u32 s5, $0x7  }
0xc: {  	v1 =	vimm.f32 $0.0e+00;
	v3 =	vimm.s32 $0x87654321;
	v5 =	vimm.s32 $0xEDCBA987;
	[smem:$0x7FF] =	sst s4;
	s9 =	smul.u32 $0x30D, s5;
	s5 =	smin.u32 s5, $0x8  }
0xd: {  	v6 =	vimm.s32 $0x65432100;
	v4 =	vunpack.c.l.s4.s8 v2;
	v3 =	vunpack.c.l.s4.s8 v3;
	s30 =	sshrl.u32 s0, $0x1;
	s8 =	sand.u32 $0x380, s8;
	_ =	strace $0x80000047  }
0xe: {  	vm0 =	vcmask $0x3F3C;
	v2 =	vlaneseq.u32;
	v5 =	vunpack.c.l.s4.s8 v5;
	s0 =	ssub.s32 s0, s30;
	s7 =	sor.u32 s7, s8;
	s9 =	sadd.s32 s5, s9  }
0xf: {  	v6 =	vunpack.c.l.s4.s8 v6;
	v7 =	vunpack.c.0.s8.s32 v4;
	v8 =	vunpack.c.0.s8.s32 v3;
	s8 =	sor.u32 s6, s8;
	s13 =	smax.u32 s0, $0x1;
	s5 =	sshll.u32 s9, $0x7  }
0x10: {  	vm1 =	vcmask $0x3B00;
	v3 =	vor.u32 $0xFFFFFF60, v2;
	v9 =	vunpack.c.0.s8.s32 v5;
	s7 =	sshrl.u32 s7, $0x3;
	s29 =	sshrl.u32 s8, $0x3;
	s31 =	sshll.u32 s9, $0x4  }
0x11: {  	v4 =	vmul.u32 $0xA0, v2;
	v5 =	vcombine.low v8, v7;
	v8 =	vunpack.c.0.s8.s32 v6;
	s6 =	sadd.s32 s10, s5;
	s11 =	sadd.s32 s7, s2;
	s2 =	sadd.s32 s29, s2  }
0x12: {  	v6 =	vimm.s32 $0x8000000F;
	v9 =	vand.u32 $0xF, v9;
	v7 =	vor.u32 $0x80000000, v2;
	s7 =	sadd.s32 s1, s5;
	s8 =	sadd.s32 s3, s31;
	s9 =	sadd.s32 $0xA00, s5  }
0x13: {  	v6 =	vsel vm1, $0x7FFFFFFF, v6;
	s10 =	sadd.s32 $0x1400, s5;
	v8 =	vcombine.low v8, v9;
	v0 =	vmov s6;
	s11 =	sadd.s32 $0xA00, s11;
	s12 =	sadd.s32 $0x50A00, s2  }
.LBB2_1:
0x14: {  	s2 =	simm.s32 $0x100;
	s0 =	simm.s32 $0x0  }
.LBB2_2:
0x15: {  	p0 =	sne.s32 s2, $0x4FF00;
	[tilespmem:s0+$0xB430] =	vst v1;
	s28 =	smov.u32 s2;
	s2 =	sadd.s32 $0x100, s2  }
.Ltmp0:
0x16: {  	[tilespmem:s0+$0xB420] =	vst v1;
	(pc) =	sbr.rel @p0 .LBB2_2-.Ltmp0, $3  }
0x17: {  	[tilespmem:s0+$0xB400] =	vst v1  }
0x18: {  	[tilespmem:s0+$0xB410] =	vst v1;
	_ =	sdelay $0x1  }
0x19: {  	s0 =	sshra.s32 s28, $0x2  }
0x1a: {  	[tilespmem:s0+$0xB430] =	vst v1  }
0x1b: {  	[tilespmem:s0+$0xB420] =	vst v1  }
0x1c: {  	[tilespmem:s0+$0xB400] =	vst v1  }
0x1d: {  	[tilespmem:s0+$0xB410] =	vst v1;
	s28 =	simm.s32 $0x0  }
0x1e: {  	[tilespmem:s28], [sflag:$0x1] =	stream.linear.gather [hbm4b:s7+s28], $0x5000, $0x38;
	[tilespmem:$0x1F480] =	vst v63  }
0x1f: {  	s29 =	simm.s32 $0x0  }
0x20: {  	v9 =	vimm.f32 $0.0e+00;
	[tilespmem:s14], [sflag:$0x3] =	stream.linear.gather [hbm4b:s8+s28], $0xA00, $0x38;
	[tilespmem:$0x1F480] =	vst v63  }
.LBB2_4:
0x21: {  	s2 =	smul.u32 $0x1400, s29;
	_ =	sdelay $0x1  }
0x22: {  	s30 =	sadd.s32 s2, s9  }
0x23: {  	p0 =	slt.s32 s30, $0x30CA00;
	s31 =	smov.u32 s30  }
0x24: {  	s31 =	simm.s32 @!p0 $0x30CA00  }
0x25: {  	s0 =	sadd.s32 s1, s31;
	s22 =	sshrl.u32 s31, $0x3  }
0x26: {  	[tilespmem:s15], [sflag:$0x2] =	stream.linear.gather [hbm4b:s0+s28], $0x5000, $0x38;
	[tilespmem:$0x1F480] =	vst v63  }
0x27: {  	s0 =	sadd.s32 s3, s22  }
0x28: {  	[tilespmem:s16], [sflag:$0x4] =	stream.linear.gather [hbm4b:s0+s28], $0xA00, $0x38;
	[tilespmem:$0x1F480] =	vst v63  }
0x29: {  	_ =	swait.ge [sflag:s17], $0x5000  }
0x2a: {  	[sflag:s17] =	ssyncset.done $0x0  }
0x2b: {  	[sflag:s17] =	ssyncadd.s32 $0xFFFFB000  }
0x2c: {  	s22 =	sadd.s32 s5, s2;
	_ =	swait.ge [sflag:s18], $0xA00  }
0x2d: {  	s0 =	ssub.s32 s6, s22;
	[sflag:s18] =	ssyncset.done $0x0  }
0x2e: {  	v10 =	vmov s0;
	s0 =	simm.s32 $0x0;
	[sflag:s18] =	ssyncadd.s32 $0xFFFFF600  }
.LBB2_5:
0x2f: {  	v11 =	vadd.s32 s0, v2  }
0x30: {  	v12 =	vadd.s32 s0, v3;
	vm1 =	vgt.u32 v11, $0x9F  }
0x31: {  	v11 =	vsel vm1, v12, v11  }
0x32: {  	v11 =	vadd.s32 v4, v11  }
0x33: {  	v39 =	vshll.u32 v11, $0x3  }
0x34: {  	v13 =	vand.u32 $0x7F, v11;
	v12 =	vand.u32 $0xFFFFFC00, v39  }
0x35: {  	v12 =	vor.u32 v13, v12  }
0x36: {  	v13 =	vor.u32 $0x80, v12  }
0x37: {  	v14 =	vor.u32 $0x100, v12  }
0x38: {  	v15 =	vor.u32 $0x180, v12;
	_ =	sdelay $0x1  }
0x39: {  	v16 =	vld.idx.msk [tilespmem:v12+s4+$0x0], $0xffff;
	v12 =	vor.u32 $0x200, v12  }
0x3a: {  	v13 =	vld.idx.msk [tilespmem:v13+s4+$0x0], $0xffff  }
0x3b: {  	v14 =	vld.idx.msk [tilespmem:v14+s4+$0x0], $0xffff  }
0x3c: {  	v15 =	vld.idx.msk [tilespmem:v15+s4+$0x0], $0xffff;
	_ =	sdelay $0x1  }
0x3d: {  	v12 =	vld.idx.msk [tilespmem:v12+s4+$0x0], $0xffff;
	_ =	sdelay $0x2  }
0x3e: {  	v17 =	vmax.f32 v16, v13;
	v18 =	vmax.f32 v14, v15  }
0x3f: {  	v17 =	vmax.f32 v17, v18  }
0x40: {  	v17 =	vmax.f32 v17, v12  }
0x41: {  	v16 =	vsub.f32 v16, v17  }
0x42: {  	v13 =	vsub.f32 v13, v17  }
0x43: {  	v14 =	vsub.f32 v14, v17;
	v40 =	vmul.f32 $1.442695020e+00, v16  }
0x44: {  	v15 =	vsub.f32 v15, v17;
	v19 =	vmul.f32 $1.442695020e+00, v13  }
0x45: {  	v41 =	vmul.f32 $1.442695020e+00, v14;
	(erf) = vpow2.f32 v40  }
0x46: {  	v42 =	vmul.f32 $1.442695020e+00, v15;
	(erf) = vpow2.f32 v19  }
0x47: {  	(erf) = vpow2.f32 v41  }
0x48: {  	v12 =	vsub.f32 v12, v17;
	(erf) = vpow2.f32 v42;
	_ =	sdelay $0x1  }
0x49: {  	v17 =	vmul.f32 $1.442695020e+00, v12;
	_ =	sdelay $0x1  }
0x4a: {  	(erf) = vpow2.f32 v17;
	_ =	sdelay $0x1  }
0x4b: {  	v43 =	vpop (erf)  }
0x4c: {  	v44 =	vpop (erf)  }
0x4d: {  	v45 =	vpop (erf)  }
0x4e: {  	v20 =	vpop (erf)  }
0x4f: {  	v21 =	vadd.f32 v44, v43;
	v22 =	vadd.f32 v20, v45;
	_ =	sdelay $0x1  }
0x50: {  	v21 =	vadd.f32 v22, v21  }
0x51: {  	v46 =	vpop (erf)  }
0x52: {  	v21 =	vadd.f32 v21, v46;
	_ =	sdelay $0x1  }
0x53: {  	v23 =	vand.u32 $0x7FFFFF, v21  }
0x54: {  	v23 =	vor.u32 $0x3F800000, v23  }
0x55: {  	v23 =	vadd.f32 $-1.000000000e+00, v23  }
0x56: {  	(erf) = vrcp.f32 v21  }
0x57: {  	v24 =	vadd.f32 $2.000000000e+00, v23;
	_ =	sdelay $0x1  }
0x58: {  	v25 =	vld.idx.msk [tilespmem:v11+s14+$0x0], $0xffff;
	(erf) = vrcp.f32 v24;
	_ =	sdelay $0x3  }
0x59: {  	vm1 =	vgt.s32 v11, $0xFFFFFFFF;
	vm3 =	vlt.s32 v11, v10  }
0x5a: {  	vm1 =	vmand vm1, vm3;
	v47 =	vperm.xlane v25, v5  }
0x5b: {  	v27 =	vsel vm1, $0x3F800000, v1;
	v16 =	vmul.f32 v43, v16;
	v26 =	vpop (erf)  }
0x5c: {  	vm2 =	vne.s32 v25, v47;
	v13 =	vmul.f32 v44, v13;
	v49 =	vmul.f32 v26, v43  }
0x5d: {  	v14 =	vmul.f32 v45, v14;
	v24 =	vsel vm2, v7, v6;
	v28 =	vmul.f32 v26, v44  }
0x5e: {  	(xrf0) =	vmax.scan.msk.u32 $0xffff, v24;
	v31 =	vmul.f32 v26, v45;
	v24 =	vmul.f32 v49, v27;
	v48 =	vpop (erf)  }
0x5f: {  	vm3 =	veq.s32 v2, $0x0;
	v28 =	vmul.f32 v28, v27;
	v23 =	vmul.f32 v48, v23  }
0x60: {  	v35 =	vadd.s32 $0x2000, v25;
	v15 =	vmul.f32 v20, v15;
	v51 =	vmul.f32 v31, v27;
	(xrf2) =	vadd.scan.msk.f32 $0xffff, v24  }
0x61: {  	v38 =	vadd.s32 $0x4000, v25;
	v13 =	vadd.f32 v13, v16;
	(xrf2) =	vadd.scan.msk.f32 $0xffff, v28;
	v11 =	vmul.f32 v23, v23  }
0x62: {  	v12 =	vmul.f32 v46, v12;
	v14 =	vadd.f32 v15, v14;
	v52 =	vmul.f32 v26, v20;
	(xrf2) =	vadd.scan.msk.f32 $0xffff, v51  }
0x63: {  	v40 =	vadd.s32 $0x6000, v25;
	v53 =	vmul.f32 v26, v46;
	v30 =	vmul.f32 $1.428571490e-01, v11  }
0x64: {  	v13 =	vadd.f32 v14, v13;
	v56 =	vshrl.u32 v21, $0x17;
	v31 =	vmul.f32 v52, v27  }
0x65: {  	v19 =	vadd.s32 $0xFFFFFF81, v56;
	v54 =	vmul.f32 v53, v27;
	v50 =	vadd.f32 $2.000000030e-01, v30  }
0x66: {  	v12 =	vadd.f32 v13, v12;
	v58 =	vcvt.s32.f32 v19;
	v29, _, _ =	vpop (xrf0);
	v24 =	vmul.f32 v24, v24;
	(xrf2) =	vadd.scan.msk.f32 $0xffff, v31  }
0x67: {  	v29 =	vxor.u32 $0x80000000, v29;
	v57 =	vmul.f32 v28, v28;
	(xrf2) =	vadd.scan.msk.f32 $0xffff, v54;
	v17 =	vmul.f32 v50, v11  }
0x68: {  	v56 =	vadd.s32 $0x10000, v25;
	v60 =	vmul.f32 v51, v51;
	v29 =	vperm.xlane v29, v8;
	(xrf2) =	vadd.scan.msk.f32 $0xffff, v24  }
0x69: {  	v15 =	vmul.f32 $6.931471820e-01, v58;
	v63 =	vmul.f32 v31, v31;
	(xrf2) =	vadd.scan.msk.f32 $0xffff, v57;
	v17 =	vadd.f32 $3.333333430e-01, v17  }
0x6a: {  	vm2 =	vmor vm2, vm0;
	v12 =	vmul.f32 v26, v12;
	v16 =	vmul.f32 v54, v54;
	v62, _, _ =	vpop (xrf2);
	(xrf2) =	vadd.scan.msk.f32 $0xffff, v60  }
0x6b: {  	v44 =	vadd.s32 $0x8000, v25;
	v55 =	vsel vm3, $0xFFFFFFFF, v29;
	v24, _, _ =	vpop (xrf2);
	(xrf2) =	vadd.scan.msk.f32 $0xffff, v63;
	v11 =	vmul.f32 v17, v11  }
0x6c: {  	v46 =	vadd.s32 $0xA000, v25;
	vm3 =	vgt.s32 v55, $0x0;
	v59 =	vadd.f32 v23, v23;
	v29, _, _ =	vpop (xrf2);
	(xrf2) =	vadd.scan.msk.f32 $0xffff, v16  }
0x6d: {  	v54 =	vadd.s32 $0xE000, v25;
	v61 =	vnsel vm3, $0x0, v55;
	v11 =	vadd.f32 $1.000000000e+00, v11  }
0x6e: {  	vm3 =	vgt.s32 v55, $0xFFFFFFFF;
	v27 =	vperm.xlane v62, v61;
	v28 =	vperm.xlane v24, v61  }
0x6f: {  	v50 =	vadd.s32 $0xC000, v25;
	v60 =	vadd.s32 $0x12000, v25;
	v11 =	vmul.f32 v11, v59  }
0x70: {  	v30 =	vnsel vm3, $0x0, v27;
	v32 =	vperm.xlane v29, v61;
	v33, _, _ =	vpop (xrf2);
	v31 =	vnsel vm3, $0x0, v28  }
0x71: {  	v34, _, _ =	vpop (xrf2);
	v36 =	vperm.xlane v33, v61;
	v11 =	vadd.f32 v11, v15;
	v15 =	vsub.f32 v62, v30  }
0x72: {  	v14 =	vsub.f32 v24, v31;
	v17 =	vnsel vm3, $0x0, v32;
	v37, _, _ =	vpop (xrf2);
	v39 =	vperm.xlane v34, v61  }
0x73: {  	v13 =	vsub.f32 v29, v17;
	v21 =	vnsel vm3, $0x0, v36;
	v41 =	vperm.xlane v37, v61;
	v42, _, _ =	vpop (xrf2);
	[tilespmem:v25+s19+$0x0] =	vst.idx.add.f32.msk vm2, v15  }
0x74: {  	v18 =	vsub.f32 v33, v21;
	v43 =	vnsel vm3, $0x0, v39;
	v47 =	vperm.xlane v42, v61;
	v48, _, _ =	vpop (xrf2);
	[tilespmem:v35+s19+$0x0] =	vst.idx.add.f32.msk vm2, v14  }
0x75: {  	v45 =	vnsel vm3, $0x0, v41;
	v49 =	vsub.f32 v34, v43;
	v51, _, _ =	vpop (xrf2);
	v53 =	vperm.xlane v48, v61;
	[tilespmem:v38+s19+$0x0] =	vst.idx.add.f32.msk vm2, v13  }
0x76: {  	v52 =	vnsel vm3, $0x0, v47;
	v15 =	vsub.f32 v37, v45;
	v55 =	vperm.xlane v51, v61;
	v57, _, _ =	vpop (xrf2);
	[tilespmem:v40+s19+$0x0] =	vst.idx.add.f32.msk vm2, v18  }
0x77: {  	p0 =	sne.s32 s0, $0x9F;
	v58 =	vnsel vm3, $0x0, v53;
	v59 =	vperm.xlane v57, v61;
	v13 =	vsub.f32 v42, v52;
	[tilespmem:v44+s19+$0x0] =	vst.idx.add.f32.msk vm2, v49  }
.Ltmp1:
0x78: {  	v14 =	vsub.f32 v48, v58;
	v61 =	vnsel vm3, $0x0, v55;
	[tilespmem:v46+s19+$0x0] =	vst.idx.add.f32.msk vm2, v15;
	(pc) =	sbr.rel @p0 .LBB2_5-.Ltmp1, $4  }
0x79: {  	v11 =	vsub.f32 v11, v12;
	v62 =	vsub.f32 v51, v61;
	v63 =	vnsel vm3, $0x0, v59;
	[tilespmem:v50+s19+$0x0] =	vst.idx.add.f32.msk vm2, v13  }
0x7a: {  	v13 =	vsub.f32 v57, v63;
	[tilespmem:v54+s19+$0x0] =	vst.idx.add.f32.msk vm2, v14  }
0x7b: {  	v11 =	vnsel vm1, $0x0, v11;
	[tilespmem:v56+s19+$0x0] =	vst.idx.add.f32.msk vm2, v62  }
0x7c: {  	s0 =	sadd.s32 $0x1, s0;
	v9 =	vadd.f32 v11, v9;
	[tilespmem:v60+s19+$0x0] =	vst.idx.add.f32.msk vm2, v13  }
0x7d: {  	p0 =	seq.s32 s29, $0x13  }
0x7e: {  	s0 =	sadd.s32 @!p0 s2, s10  }
0x7f: {  	p1 =	slt.s32 @!p0 s0, $0x30CA00  }
0x80: {  	p1 =	por !p1, p0  }
0x81: {  	s0 =	simm.s32 @p1 $0x30CA00  }
0x82: {  	s22 =	simm.s32 @!p0 $0x0;
	s2 =	sadd.s32 @!p0 s1, s0;
	s0 =	sshrl.u32 @!p0 s0, $0x3  }
0x83: {  	[tilespmem:s22], [sflag:$0x1] =	stream.linear.gather @!p0 [hbm4b:s2+s22], $0x5000, $0x38;
	[tilespmem:$0x1F480] =	vst v63  }
0x84: {  	s0 =	sadd.s32 @!p0 s3, s0;
	s2 =	simm.s32 @!p0 $0xA000  }
0x85: {  	[tilespmem:s2], [sflag:$0x3] =	stream.linear.gather @!p0 [hbm4b:s0+s22], $0xA00, $0x38;
	[tilespmem:$0x1F480] =	vst v63  }
0x86: {  	_ =	swait.ge [sflag:s20], $0x5000  }
0x87: {  	[sflag:s20] =	ssyncset.done $0x0  }
0x88: {  	[sflag:s20] =	ssyncadd.s32 $0xFFFFB000  }
0x89: {  	_ =	swait.ge [sflag:s21], $0xA00  }
0x8a: {  	[sflag:s21] =	ssyncset.done $0x0  }
0x8b: {  	v10 =	vmov s31;
	v11 =	vmov s30;
	s2 =	simm.s32 $0x0;
	[sflag:s21] =	ssyncadd.s32 $0xFFFFF600  }
.LBB2_7:
0x8c: {  	v12 =	vadd.s32 s2, v2  }
0x8d: {  	v13 =	vadd.s32 s2, v3;
	vm1 =	vgt.u32 v12, $0x9F  }
0x8e: {  	v12 =	vsel vm1, v13, v12  }
0x8f: {  	v12 =	vadd.s32 v4, v12  }
0x90: {  	v38 =	vshll.u32 v12, $0x3  }
0x91: {  	v14 =	vand.u32 $0x7F, v12;
	v13 =	vand.u32 $0xFFFFFC00, v38  }
0x92: {  	v13 =	vor.u32 v14, v13  }
0x93: {  	v14 =	vor.u32 $0x80, v13  }
0x94: {  	v15 =	vor.u32 $0x100, v13  }
0x95: {  	v16 =	vor.u32 $0x180, v13;
	_ =	sdelay $0x1  }
0x96: {  	v17 =	vld.idx.msk [tilespmem:v13+s15+$0x0], $0xffff;
	v13 =	vor.u32 $0x200, v13  }
0x97: {  	v14 =	vld.idx.msk [tilespmem:v14+s15+$0x0], $0xffff  }
0x98: {  	v15 =	vld.idx.msk [tilespmem:v15+s15+$0x0], $0xffff  }
0x99: {  	v16 =	vld.idx.msk [tilespmem:v16+s15+$0x0], $0xffff;
	_ =	sdelay $0x1  }
0x9a: {  	v13 =	vld.idx.msk [tilespmem:v13+s15+$0x0], $0xffff;
	_ =	sdelay $0x2  }
0x9b: {  	v18 =	vmax.f32 v17, v14;
	v19 =	vmax.f32 v15, v16  }
0x9c: {  	v18 =	vmax.f32 v18, v19  }
0x9d: {  	v18 =	vmax.f32 v18, v13  }
0x9e: {  	v17 =	vsub.f32 v17, v18  }
0x9f: {  	v14 =	vsub.f32 v14, v18  }
0xa0: {  	v15 =	vsub.f32 v15, v18;
	v39 =	vmul.f32 $1.442695020e+00, v17  }
0xa1: {  	v16 =	vsub.f32 v16, v18;
	v20 =	vmul.f32 $1.442695020e+00, v14  }
0xa2: {  	v40 =	vmul.f32 $1.442695020e+00, v15;
	(erf) = vpow2.f32 v39  }
0xa3: {  	v41 =	vmul.f32 $1.442695020e+00, v16;
	(erf) = vpow2.f32 v20  }
0xa4: {  	(erf) = vpow2.f32 v40  }
0xa5: {  	v13 =	vsub.f32 v13, v18;
	(erf) = vpow2.f32 v41;
	_ =	sdelay $0x1  }
0xa6: {  	v18 =	vmul.f32 $1.442695020e+00, v13;
	_ =	sdelay $0x1  }
0xa7: {  	(erf) = vpow2.f32 v18;
	_ =	sdelay $0x1  }
0xa8: {  	v42 =	vpop (erf)  }
0xa9: {  	v43 =	vpop (erf)  }
0xaa: {  	v44 =	vpop (erf)  }
0xab: {  	v21 =	vpop (erf)  }
0xac: {  	v22 =	vadd.f32 v43, v42;
	v23 =	vadd.f32 v21, v44;
	_ =	sdelay $0x1  }
0xad: {  	v22 =	vadd.f32 v23, v22  }
0xae: {  	v45 =	vpop (erf)  }
0xaf: {  	v22 =	vadd.f32 v22, v45;
	_ =	sdelay $0x1  }
0xb0: {  	v24 =	vand.u32 $0x7FFFFF, v22  }
0xb1: {  	v24 =	vor.u32 $0x3F800000, v24  }
0xb2: {  	v24 =	vadd.f32 $-1.000000000e+00, v24  }
0xb3: {  	(erf) = vrcp.f32 v22  }
0xb4: {  	v25 =	vadd.f32 $2.000000000e+00, v24;
	_ =	sdelay $0x1  }
0xb5: {  	v26 =	vld.idx.msk [tilespmem:v12+s16+$0x0], $0xffff;
	(erf) = vrcp.f32 v25;
	_ =	sdelay $0x2  }
0xb6: {  	v12 =	vadd.s32 v10, v12  }
0xb7: {  	vm1 =	vge.s32 v12, v11;
	vm3 =	vlt.s32 v12, v0  }
0xb8: {  	vm1 =	vmand vm1, vm3;
	v46 =	vperm.xlane v26, v5  }
0xb9: {  	v28 =	vsel vm1, $0x3F800000, v1;
	v17 =	vmul.f32 v42, v17;
	v27 =	vpop (erf)  }
0xba: {  	vm2 =	vne.s32 v26, v46;
	v14 =	vmul.f32 v43, v14;
	v49 =	vmul.f32 v27, v42  }
0xbb: {  	v15 =	vmul.f32 v44, v15;
	v25 =	vsel vm2, v7, v6;
	v29 =	vmul.f32 v27, v43  }
0xbc: {  	(xrf0) =	vmax.scan.msk.u32 $0xffff, v25;
	v32 =	vmul.f32 v27, v44;
	v25 =	vmul.f32 v49, v28;
	v47 =	vpop (erf)  }
0xbd: {  	vm3 =	veq.s32 v2, $0x0;
	v29 =	vmul.f32 v29, v28;
	v24 =	vmul.f32 v47, v24  }
0xbe: {  	v35 =	vadd.s32 $0x2000, v26;
	v16 =	vmul.f32 v21, v16;
	v51 =	vmul.f32 v32, v28;
	(xrf2) =	vadd.scan.msk.f32 $0xffff, v25  }
0xbf: {  	v38 =	vadd.s32 $0x4000, v26;
	v46 =	vadd.s32 $0xA000, v26;
	(xrf2) =	vadd.scan.msk.f32 $0xffff, v29;
	v48 =	vmul.f32 v24, v24  }
0xc0: {  	v14 =	vadd.f32 v14, v17;
	v15 =	vadd.f32 v16, v15;
	v52 =	vmul.f32 v27, v21;
	(xrf2) =	vadd.scan.msk.f32 $0xffff, v51  }
0xc1: {  	v40 =	vadd.s32 $0x6000, v26;
	v53 =	vmul.f32 v27, v45;
	v31 =	vmul.f32 $1.428571490e-01, v48  }
0xc2: {  	v13 =	vmul.f32 v45, v13;
	v14 =	vadd.f32 v15, v14;
	v32 =	vmul.f32 v52, v28  }
0xc3: {  	v56 =	vshrl.u32 v22, $0x17;
	v54 =	vmul.f32 v53, v28;
	v50 =	vadd.f32 $2.000000030e-01, v31  }
0xc4: {  	v13 =	vadd.f32 v14, v13;
	v20 =	vadd.s32 $0xFFFFFF81, v56;
	v25 =	vmul.f32 v25, v25;
	(xrf2) =	vadd.scan.msk.f32 $0xffff, v32  }
0xc5: {  	v56 =	vadd.s32 $0x10000, v26;
	v30, _, _ =	vpop (xrf0);
	v57 =	vmul.f32 v29, v29;
	(xrf2) =	vadd.scan.msk.f32 $0xffff, v54;
	v18 =	vmul.f32 v50, v48  }
0xc6: {  	v58 =	vcvt.s32.f32 v20;
	v30 =	vxor.u32 $0x80000000, v30;
	v60 =	vmul.f32 v51, v51;
	(xrf2) =	vadd.scan.msk.f32 $0xffff, v25  }
0xc7: {  	v63 =	vmul.f32 v32, v32;
	v30 =	vperm.xlane v30, v8;
	(xrf2) =	vadd.scan.msk.f32 $0xffff, v57;
	v18 =	vadd.f32 $3.333333430e-01, v18  }
0xc8: {  	v16 =	vmul.f32 $6.931471820e-01, v58;
	vm2 =	vmor vm2, vm0;
	v17 =	vmul.f32 v54, v54;
	v62, _, _ =	vpop (xrf2);
	(xrf2) =	vadd.scan.msk.f32 $0xffff, v60  }
0xc9: {  	v55 =	vsel vm3, $0xFFFFFFFF, v30;
	v59 =	vadd.f32 v24, v24;
	v24, _, _ =	vpop (xrf2);
	(xrf2) =	vadd.scan.msk.f32 $0xffff, v63;
	v12 =	vmul.f32 v18, v48  }
0xca: {  	v13 =	vmul.f32 v27, v13;
	v44 =	vadd.s32 $0x8000, v26;
	vm3 =	vgt.s32 v55, $0x0;
	v29, _, _ =	vpop (xrf2);
	(xrf2) =	vadd.scan.msk.f32 $0xffff, v17  }
0xcb: {  	v54 =	vadd.s32 $0xE000, v26;
	v61 =	vnsel vm3, $0x0, v55;
	v12 =	vadd.f32 $1.000000000e+00, v12  }
0xcc: {  	vm3 =	vgt.s32 v55, $0xFFFFFFFF;
	v25 =	vperm.xlane v62, v61;
	v28 =	vperm.xlane v24, v61  }
0xcd: {  	v50 =	vadd.s32 $0xC000, v26;
	v60 =	vadd.s32 $0x12000, v26;
	v12 =	vmul.f32 v12, v59  }
0xce: {  	v30 =	vnsel vm3, $0x0, v25;
	v32 =	vperm.xlane v29, v61;
	v33, _, _ =	vpop (xrf2);
	v31 =	vnsel vm3, $0x0, v28  }
0xcf: {  	v34, _, _ =	vpop (xrf2);
	v36 =	vperm.xlane v33, v61;
	v12 =	vadd.f32 v12, v16;
	v16 =	vsub.f32 v62, v30  }
0xd0: {  	v15 =	vsub.f32 v24, v31;
	v18 =	vnsel vm3, $0x0, v32;
	v37, _, _ =	vpop (xrf2);
	v39 =	vperm.xlane v34, v61  }
0xd1: {  	v14 =	vsub.f32 v29, v18;
	v22 =	vnsel vm3, $0x0, v36;
	v41 =	vperm.xlane v37, v61;
	v42, _, _ =	vpop (xrf2);
	[tilespmem:v26+s19+$0x0] =	vst.idx.add.f32.msk vm2, v16  }
0xd2: {  	v19 =	vsub.f32 v33, v22;
	v43 =	vnsel vm3, $0x0, v39;
	v47 =	vperm.xlane v42, v61;
	v48, _, _ =	vpop (xrf2);
	[tilespmem:v35+s19+$0x0] =	vst.idx.add.f32.msk vm2, v15  }
0xd3: {  	v45 =	vnsel vm3, $0x0, v41;
	v49 =	vsub.f32 v34, v43;
	v51, _, _ =	vpop (xrf2);
	v53 =	vperm.xlane v48, v61;
	[tilespmem:v38+s19+$0x0] =	vst.idx.add.f32.msk vm2, v14  }
0xd4: {  	v52 =	vnsel vm3, $0x0, v47;
	v16 =	vsub.f32 v37, v45;
	v55 =	vperm.xlane v51, v61;
	v57, _, _ =	vpop (xrf2);
	[tilespmem:v40+s19+$0x0] =	vst.idx.add.f32.msk vm2, v19  }
0xd5: {  	p0 =	sne.s32 s2, $0x9F;
	v58 =	vnsel vm3, $0x0, v53;
	v59 =	vperm.xlane v57, v61;
	v14 =	vsub.f32 v42, v52;
	[tilespmem:v44+s19+$0x0] =	vst.idx.add.f32.msk vm2, v49  }
.Ltmp2:
0xd6: {  	v15 =	vsub.f32 v48, v58;
	v61 =	vnsel vm3, $0x0, v55;
	[tilespmem:v46+s19+$0x0] =	vst.idx.add.f32.msk vm2, v16;
	(pc) =	sbr.rel @p0 .LBB2_7-.Ltmp2, $4  }
0xd7: {  	v12 =	vsub.f32 v12, v13;
	v62 =	vsub.f32 v51, v61;
	v63 =	vnsel vm3, $0x0, v59;
	[tilespmem:v50+s19+$0x0] =	vst.idx.add.f32.msk vm2, v14  }
0xd8: {  	v14 =	vsub.f32 v57, v63;
	[tilespmem:v54+s19+$0x0] =	vst.idx.add.f32.msk vm2, v15  }
0xd9: {  	v12 =	vnsel vm1, $0x0, v12;
	[tilespmem:v56+s19+$0x0] =	vst.idx.add.f32.msk vm2, v62  }
0xda: {  	s2 =	sadd.s32 $0x1, s2;
	v9 =	vadd.f32 v12, v9;
	[tilespmem:v60+s19+$0x0] =	vst.idx.add.f32.msk vm2, v14  }
0xdb: {  	s29 =	sadd.s32 $0x1, s29  }
0xdc: {  	p0 =	sne.s32 s29, $0x14  }
.Ltmp3:
0xdd: {  	_ = 	snop;
	(pc) =	sbr.rel @p0 .LBB2_4-.Ltmp3, $1  }
0xde: {  	_ =	sdelay $0x3  }
0xdf: {  	[tilespmem:$0x1F400] =	vst v9;
	s0 =	simm.s32 $0x80  }
0xe0: {  	[hbm4b:s11+s0] =	stream.strided.scatter [tilespmem:s19], [sflag:$0x5], $0x14000, s23, s0, $0x38;
	[tilespmem:$0x1F480] =	vst v63  }
0xe1: {  	s26 =	sadd.s32 $0x1, s26;
	_ =	swait.ge [sflag:s24], $0x14000  }
0xe2: {  	p0 =	sne.s32 s26, s13;
	[sflag:s24] =	ssyncset.done $0x0  }
.Ltmp4:
0xe3: {  	[sflag:s24] =	ssyncadd.s32 $0xFFFEC000;
	(pc) =	sbr.rel @p0 .LBB2_1-.Ltmp4, $4  }
0xe4: {  	[hbm4b:s12+s4] =	stream.linear.scatter [tilespmem:s25], [sflag:$0x5], $0x80, $0x38;
	[tilespmem:$0x1F480] =	vst v63  }
0xe5: {  	_ =	swait.ge [sflag:s24], $0x80  }
0xe6: {  	[sflag:s24] =	ssyncset.done $0x0  }
0xe7: {  	[sflag:s24] =	ssyncadd.s32 $0xFFFFFF80  }
0xe8: {  	_ =	sfence.sel $0x180000  }
0xe9: {  	[bflag:$0x0] =	sbarrier.arrive $0xFFFF  }
0xea: {  	_ =	strace $0x90000047  }
0xeb: {  	s0 =	stileid.u32;
	[bflag:$0x2] =	sbarrier.arrive $0xFFFF  }
0xec: {  	p0 =	sne.s32 s0, $0x0;
	s0 =	rddreg [dreg:$0x3]  }
0xed: {  	s0 =	sadd.s32 @!p0 $0x100000, s0  }
0xee: {  	[sflag:s0] =	ssyncadd.tile.s32 @!p0 $0x1;
	_ =	shalt  }
.Lfunc_end2:
_tile_overlayer_lowered:
.L_overlay_start_2:
0xef: {  	(tag) =	ssettag $0x2  }
0xf0: {  	s0 =	rddreg [dreg:$0x0];
	s2 =	stileid.u32  }
0xf1: {  	s1 =	rddreg [dreg:$0x1];
	p0 =	sne.s32 s2, $0x0  }
0xf2: {  	s3 =	rddreg [dreg:$0x2];
	[bflag:$0x3] =	sbarrier.arrive $0xFFFF;
	s2 =	simm.s32 @!p0 $0x1C05  }
0xf3: {  	[timem:s3], [sflag:s2] =	dma.local @!p0 [hbm:s0], s1  }
0xf4: {  	s0 =	simm.s32 @!p0 $0x5  }
0xf5: {  	_ =	swait.ge @!p0 [sflag:s0], s1  }
0xf6: {  	s1 =	ssub.s32 @!p0 $0x0, s1;
	[sflag:s0] =	ssyncset.done @!p0 $0x0  }
0xf7: {  	[sflag:s0] =	ssyncadd.s32 @!p0 s1  }
0xf8: {  	[bflag:$0x3] =	sbarrier.arrive $0xFFFF  }
0xf9: {  	_ =	shalt  }

</sc_bundles>
